<compile_context>
chip_gen: v7x
topology: tpu7x:2x2x1
jax: 0.10.2.dev20260603
libtpu: 0.0.44.dev20260713+nightly
codegen_flags: <defaults>
</compile_context>

<pallas_src>
import functools

import jax
import jax.numpy as jnp
from jax import lax
from jax.experimental import pallas as pl
from jax.experimental.pallas import tpu as pltpu
from jax.experimental.pallas import tpu_sc as plsc

D_MODEL = 2048
N_EXPERTS = 64
TOP_K = 8
VOCAB = 129280
TOKENS = 8192
ROUTE_SCALE = 2.5


_NUM_CORES = 2
_NUM_SUBCORES = 16
_NW = _NUM_CORES * _NUM_SUBCORES
_TOK_PER_W = TOKENS // _NW
_FLAT_PER_W = _TOK_PER_W * TOP_K
_LANES = 16
_CHUNK = 128


def _sc_gather_indices(table_kmajor, input_ids):
    mesh = plsc.VectorSubcoreMesh(core_axis_name="c", subcore_axis_name="s")

    @functools.partial(
        pl.kernel,
        mesh=mesh,
        out_type=jax.ShapeDtypeStruct((TOP_K * TOKENS,), jnp.int32),
        scratch_types=[
            pltpu.VMEM((_TOK_PER_W,), jnp.int32),
            pltpu.VMEM((_FLAT_PER_W,), jnp.int32),
            pltpu.VMEM((_FLAT_PER_W,), jnp.int32),
            pltpu.SemaphoreType.DMA,
        ],
    )
    def gather_kernel(table_hbm, ids_hbm, out_hbm, ids_v, fidx_v, rows_v, sem):
        wid = lax.axis_index("s") * _NUM_CORES + lax.axis_index("c")
        base = wid * _TOK_PER_W
        pltpu.sync_copy(ids_hbm.at[pl.ds(base, _TOK_PER_W)], ids_v)

        def build(i, carry):
            v = ids_v[pl.ds(i * _LANES, _LANES)]
            for k in range(TOP_K):
                fidx_v[pl.ds(k * _TOK_PER_W + i * _LANES, _LANES)] = v + k * VOCAB
            return carry

        lax.fori_loop(0, _TOK_PER_W // _LANES, build, 0)

        copies = [
            pltpu.async_copy(
                table_hbm.at[fidx_v.at[pl.ds(j * _CHUNK, _CHUNK)]],
                rows_v.at[pl.ds(j * _CHUNK, _CHUNK)],
                sem,
            )
            for j in range(_FLAT_PER_W // _CHUNK)
        ]
        for c in copies:
            c.wait()
        for k in range(TOP_K):
            pltpu.sync_copy(
                rows_v.at[pl.ds(k * _TOK_PER_W, _TOK_PER_W)],
                out_hbm.at[pl.ds(k * TOKENS + base, _TOK_PER_W)],
            )

    return gather_kernel(table_kmajor, input_ids)



_BLK_T = 1024


def _tc_scores_body(x_ref, w_ref, out_ref):
    scores = lax.dot_general(
        x_ref[...], w_ref[...], (((1,), (1,)), ((), ())),
        preferred_element_type=jnp.float32,
    )
    out_ref[...] = scores.astype(jnp.bfloat16)


def _tc_scores(x, weight):
    return pl.pallas_call(
        _tc_scores_body,
        grid=(TOKENS // _BLK_T,),
        in_specs=[
            pl.BlockSpec((_BLK_T, D_MODEL), lambda i: (i, 0)),
            pl.BlockSpec((N_EXPERTS, D_MODEL), lambda i: (0, 0)),
        ],
        out_specs=pl.BlockSpec((_BLK_T, N_EXPERTS), lambda i: (i, 0)),
        out_shape=jax.ShapeDtypeStruct((TOKENS, N_EXPERTS), jnp.bfloat16),
    )(x, weight)



_BLK_S = 4096


def _tc_select_body(g_ref, idx_ref, out_ref):
    g = g_ref[...]
    idx = idx_ref[...]
    ssel = jnp.take_along_axis(g.astype(jnp.float32), idx, axis=1)
    sp = jnp.maximum(ssel, 0.0) + jnp.log(1.0 + jnp.exp(-jnp.abs(ssel)))
    wsel = jnp.sqrt(sp)
    denom = jnp.sum(wsel, axis=1, keepdims=True) + 1e-20
    out_ref[...] = wsel * (ROUTE_SCALE / denom)


def _tc_select(g, indices):
    return pl.pallas_call(
        _tc_select_body,
        grid=(TOKENS // _BLK_S,),
        in_specs=[
            pl.BlockSpec((_BLK_S, N_EXPERTS), lambda i: (i, 0)),
            pl.BlockSpec((_BLK_S, TOP_K), lambda i: (i, 0)),
        ],
        out_specs=pl.BlockSpec((_BLK_S, TOP_K), lambda i: (i, 0)),
        out_shape=jax.ShapeDtypeStruct((TOKENS, TOP_K), jnp.float32),
    )(g, indices)


def kernel(x, weight, tid2eid, input_ids):
    table_kmajor = tid2eid.T.reshape(-1)
    idx_kmajor = _sc_gather_indices(table_kmajor, input_ids)
    indices = idx_kmajor.reshape(TOP_K, TOKENS).T
    g = _tc_scores(x, weight)
    weights = _tc_select(g, indices)
    return (weights.astype(x.dtype), indices)

# --- scband reference (transcript-rebuilt; emitter-appended) ---
"""Pipeline reference for scband-deepseek-v4-model-4629974745169 (READ-ONLY COPY).

The authoritative reference and input builder live on the scoring server;
editing this copy changes nothing except your own understanding.
"""

import jax, jax.numpy as jnp
import numpy as np

D_MODEL = 2048
N_EXPERTS = 64
TOP_K = 8
VOCAB = 129280
TOKENS = 8192
ROUTE_SCALE = 2.5


def setup_inputs(seed: int = 0) -> dict:
    key = jax.random.key(seed)
    k1, k2, k3, k4 = jax.random.split(key, 4)
    x = jax.random.normal(k1, (TOKENS, D_MODEL), dtype=jnp.float32)
    input_ids = jax.random.randint(k2, (TOKENS,), 0, VOCAB, dtype=jnp.int32)
    # learned gate weight [n_experts, hidden_size]
    weight = jax.random.normal(k3, (N_EXPERTS, D_MODEL), dtype=jnp.float32) * 0.02
    # fixed hash routing table [vocab, top_k], non-trainable int buffer
    tid2eid = jax.random.randint(k4, (VOCAB, TOP_K), 0, N_EXPERTS, dtype=jnp.int32)
    return {"x": x, "weight": weight, "tid2eid": tid2eid, "input_ids": input_ids}


def reference(x, weight, tid2eid, input_ids):
    # DeepseekV4HashGate.forward with score_func='sqrtsoftplus'
    scores = x.astype(jnp.float32) @ weight.astype(jnp.float32).T  # [T, E]
    scores = jnp.sqrt(jax.nn.softplus(scores))
    # deterministic per-token-id expert selection via hash table lookup (gather)
    indices = jnp.take(tid2eid, input_ids, axis=0)  # [T, top_k]
    # gather routing weights at the pre-assigned experts
    weights = jnp.take_along_axis(scores, indices, axis=-1)  # [T, top_k]
    # score_func != 'softmax' -> normalize over selected experts
    denom = weights.sum(axis=-1, keepdims=True) + 1e-20
    weights = weights / denom
    weights = weights * ROUTE_SCALE
    return (weights.astype(x.dtype), indices)

if __name__ == "__main__":
    import jax
    _d = setup_inputs()
    print(jax.jit(kernel)(*tuple(_d.values())))

</pallas_src>

<mosaic_0001>
#map = affine_map<(d0, d1) -> (0)>
module attributes {stable_mosaic.version = 14 : i64} {
  func.func @gather_kernel(%arg0: i32, %arg1: i32, %arg2: memref<1034240xi32, #tpu.memory_space<hbm>>, %arg3: memref<8192xi32, #tpu.memory_space<hbm>>, %arg4: memref<65536xi32, #tpu.memory_space<hbm>>, %arg5: memref<256xi32, #tpu.memory_space<vmem>>, %arg6: memref<2048xi32, #tpu.memory_space<vmem>>, %arg7: memref<2048xi32, #tpu.memory_space<vmem>>, %arg8: memref<!tpu.dma_semaphore, #tpu.memory_space<semaphore_mem>>) attributes {dimension_semantics = [#tpu.dimension_semantics<core_parallel>, #tpu.dimension_semantics<subcore_parallel>], iteration_bounds = array<i64: 2, 16>, scalar_prefetch = 0 : i64, scratch_operands = 4 : i64, tpu.core_type = #tpu.core_type<sc_vector_subcore>, window_params = [{transform_indices = #map}, {transform_indices = #map}, {transform_indices = #map}]} {
    %mul3A = arith.constant 2 : i32
    %mul3A_0 = arith.muli %arg1, %mul3A : i32
    %add3A = arith.addi %mul3A_0, %arg0 : i32
    %mul3A_1 = arith.constant 256 : i32
    %mul3A_2 = arith.muli %add3A, %mul3A_1 : i32
    "tpu.region"() ({
      %run_scoped3A = tpu.sem_alloc : memref<!tpu.dma_semaphore, #tpu.memory_space<semaphore_mem>>
      %dma_start3A_214 = tpu.memref_slice %arg3[%mul3A_2] : memref<8192xi32, #tpu.memory_space<hbm>> -> memref<256xi32, #tpu.memory_space<hbm>>
      %dma_start3A_215 = tpu.memref_slice %arg3[%mul3A_2] : memref<8192xi32, #tpu.memory_space<hbm>> -> memref<256xi32, #tpu.memory_space<hbm>>
      tpu.enqueue_dma source(%dma_start3A_215 : memref<256xi32, #tpu.memory_space<hbm>>) target(%arg5 : memref<256xi32, #tpu.memory_space<vmem>>) target_semaphore(%run_scoped3A : memref<!tpu.dma_semaphore, #tpu.memory_space<semaphore_mem>>)
      %dma_wait3A_216 = tpu.memref_slice %arg3[%mul3A_2] : memref<8192xi32, #tpu.memory_space<hbm>> -> memref<256xi32, #tpu.memory_space<hbm>>
      %dma_wait3A_217 = tpu.memref_slice %arg3[%mul3A_2] : memref<8192xi32, #tpu.memory_space<hbm>> -> memref<256xi32, #tpu.memory_space<hbm>>
      tpu.wait_dma2 semaphore(%run_scoped3A : memref<!tpu.dma_semaphore, #tpu.memory_space<semaphore_mem>>) src(%dma_wait3A_217 : memref<256xi32, #tpu.memory_space<hbm>>) dst(%arg5 : memref<256xi32, #tpu.memory_space<vmem>>)
      tpu.yield
    }) : () -> ()
    %scan3A = arith.constant 0 : i32
    %scan3A_3 = arith.constant 0 : i32
    %scan3A_4 = arith.constant 16 : i32
    %scan3A_5 = arith.addi %scan3A_3, %scan3A_4 : i32
    %scan3A_6 = arith.constant 1 : i32
    scf.for %scan3A_214 = %scan3A_3 to %scan3A_5 step %scan3A_6  : i32 {
      %mul3A_215 = arith.constant 16 : i32
      %mul3A_216 = arith.muli %scan3A_214, %mul3A_215 : i32
      %get3A = arith.index_cast %mul3A_216 : i32 to index
      %get3A_217 = tpu.vector_load %arg5[%get3A] {strides = array<i32>} : memref<256xi32, #tpu.memory_space<vmem>>, vector<16xi32>,
      %get3A_218 = vector.shape_cast %get3A_217 : vector<16xi32> to vector<16xi32>
      %add3A_219 = arith.constant 0 : i32
      %add3A_220 = vector.broadcast %add3A_219 : i32 to vector<16xi32>
      %add3A_221 = arith.addi %get3A_218, %add3A_220 : vector<16xi32>
      %mul3A_222 = arith.constant 16 : i32
      %mul3A_223 = arith.muli %scan3A_214, %mul3A_222 : i32
      %add3A_224 = arith.constant 0 : i32
      %add3A_225 = arith.addi %add3A_224, %mul3A_223 : i32
      %swap3A = arith.index_cast %add3A_225 : i32 to index
      %swap3A_226 = tpu.vector_load %arg6[%swap3A] {strides = array<i32>} : memref<2048xi32, #tpu.memory_space<vmem>>, vector<16xi32>,
      %swap3A_227 = vector.shape_cast %swap3A_226 : vector<16xi32> to vector<16xi32>
      %swap3A_228 = vector.shape_cast %add3A_221 : vector<16xi32> to vector<16xi32>
      tpu.vector_store %arg6[%swap3A], %swap3A_228 {strides = array<i32>} : memref<2048xi32, #tpu.memory_space<vmem>>, vector<16xi32>,
      %add3A_229 = arith.constant 129280 : i32
      %add3A_230 = vector.broadcast %add3A_229 : i32 to vector<16xi32>
      %add3A_231 = arith.addi %get3A_218, %add3A_230 : vector<16xi32>
      %mul3A_232 = arith.constant 16 : i32
      %mul3A_233 = arith.muli %scan3A_214, %mul3A_232 : i32
      %add3A_234 = arith.constant 256 : i32
      %add3A_235 = arith.addi %add3A_234, %mul3A_233 : i32
      %swap3A_236 = arith.index_cast %add3A_235 : i32 to index
      %swap3A_237 = tpu.vector_load %arg6[%swap3A_236] {strides = array<i32>} : memref<2048xi32, #tpu.memory_space<vmem>>, vector<16xi32>,
      %swap3A_238 = vector.shape_cast %swap3A_237 : vector<16xi32> to vector<16xi32>
      %swap3A_239 = vector.shape_cast %add3A_231 : vector<16xi32> to vector<16xi32>
      tpu.vector_store %arg6[%swap3A_236], %swap3A_239 {strides = array<i32>} : memref<2048xi32, #tpu.memory_space<vmem>>, vector<16xi32>,
      %add3A_240 = arith.constant 258560 : i32
      %add3A_241 = vector.broadcast %add3A_240 : i32 to vector<16xi32>
      %add3A_242 = arith.addi %get3A_218, %add3A_241 : vector<16xi32>
      %mul3A_243 = arith.constant 16 : i32
      %mul3A_244 = arith.muli %scan3A_214, %mul3A_243 : i32
      %add3A_245 = arith.constant 512 : i32
      %add3A_246 = arith.addi %add3A_245, %mul3A_244 : i32
      %swap3A_247 = arith.index_cast %add3A_246 : i32 to index
      %swap3A_248 = tpu.vector_load %arg6[%swap3A_247] {strides = array<i32>} : memref<2048xi32, #tpu.memory_space<vmem>>, vector<16xi32>,
      %swap3A_249 = vector.shape_cast %swap3A_248 : vector<16xi32> to vector<16xi32>
      %swap3A_250 = vector.shape_cast %add3A_242 : vector<16xi32> to vector<16xi32>
      tpu.vector_store %arg6[%swap3A_247], %swap3A_250 {strides = array<i32>} : memref<2048xi32, #tpu.memory_space<vmem>>, vector<16xi32>,
      %add3A_251 = arith.constant 387840 : i32
      %add3A_252 = vector.broadcast %add3A_251 : i32 to vector<16xi32>
      %add3A_253 = arith.addi %get3A_218, %add3A_252 : vector<16xi32>
      %mul3A_254 = arith.constant 16 : i32
      %mul3A_255 = arith.muli %scan3A_214, %mul3A_254 : i32
      %add3A_256 = arith.constant 768 : i32
      %add3A_257 = arith.addi %add3A_256, %mul3A_255 : i32
      %swap3A_258 = arith.index_cast %add3A_257 : i32 to index
      %swap3A_259 = tpu.vector_load %arg6[%swap3A_258] {strides = array<i32>} : memref<2048xi32, #tpu.memory_space<vmem>>, vector<16xi32>,
      %swap3A_260 = vector.shape_cast %swap3A_259 : vector<16xi32> to vector<16xi32>
      %swap3A_261 = vector.shape_cast %add3A_253 : vector<16xi32> to vector<16xi32>
      tpu.vector_store %arg6[%swap3A_258], %swap3A_261 {strides = array<i32>} : memref<2048xi32, #tpu.memory_space<vmem>>, vector<16xi32>,
      %add3A_262 = arith.constant 517120 : i32
      %add3A_263 = vector.broadcast %add3A_262 : i32 to vector<16xi32>
      %add3A_264 = arith.addi %get3A_218, %add3A_263 : vector<16xi32>
      %mul3A_265 = arith.constant 16 : i32
      %mul3A_266 = arith.muli %scan3A_214, %mul3A_265 : i32
      %add3A_267 = arith.constant 1024 : i32
      %add3A_268 = arith.addi %add3A_267, %mul3A_266 : i32
      %swap3A_269 = arith.index_cast %add3A_268 : i32 to index
      %swap3A_270 = tpu.vector_load %arg6[%swap3A_269] {strides = array<i32>} : memref<2048xi32, #tpu.memory_space<vmem>>, vector<16xi32>,
      %swap3A_271 = vector.shape_cast %swap3A_270 : vector<16xi32> to vector<16xi32>
      %swap3A_272 = vector.shape_cast %add3A_264 : vector<16xi32> to vector<16xi32>
      tpu.vector_store %arg6[%swap3A_269], %swap3A_272 {strides = array<i32>} : memref<2048xi32, #tpu.memory_space<vmem>>, vector<16xi32>,
      %add3A_273 = arith.constant 646400 : i32
      %add3A_274 = vector.broadcast %add3A_273 : i32 to vector<16xi32>
      %add3A_275 = arith.addi %get3A_218, %add3A_274 : vector<16xi32>
      %mul3A_276 = arith.constant 16 : i32
      %mul3A_277 = arith.muli %scan3A_214, %mul3A_276 : i32
      %add3A_278 = arith.constant 1280 : i32
      %add3A_279 = arith.addi %add3A_278, %mul3A_277 : i32
      %swap3A_280 = arith.index_cast %add3A_279 : i32 to index
      %swap3A_281 = tpu.vector_load %arg6[%swap3A_280] {strides = array<i32>} : memref<2048xi32, #tpu.memory_space<vmem>>, vector<16xi32>,
      %swap3A_282 = vector.shape_cast %swap3A_281 : vector<16xi32> to vector<16xi32>
      %swap3A_283 = vector.shape_cast %add3A_275 : vector<16xi32> to vector<16xi32>
      tpu.vector_store %arg6[%swap3A_280], %swap3A_283 {strides = array<i32>} : memref<2048xi32, #tpu.memory_space<vmem>>, vector<16xi32>,
      %add3A_284 = arith.constant 775680 : i32
      %add3A_285 = vector.broadcast %add3A_284 : i32 to vector<16xi32>
      %add3A_286 = arith.addi %get3A_218, %add3A_285 : vector<16xi32>
      %mul3A_287 = arith.constant 16 : i32
      %mul3A_288 = arith.muli %scan3A_214, %mul3A_287 : i32
      %add3A_289 = arith.constant 1536 : i32
      %add3A_290 = arith.addi %add3A_289, %mul3A_288 : i32
      %swap3A_291 = arith.index_cast %add3A_290 : i32 to index
      %swap3A_292 = tpu.vector_load %arg6[%swap3A_291] {strides = array<i32>} : memref<2048xi32, #tpu.memory_space<vmem>>, vector<16xi32>,
      %swap3A_293 = vector.shape_cast %swap3A_292 : vector<16xi32> to vector<16xi32>
      %swap3A_294 = vector.shape_cast %add3A_286 : vector<16xi32> to vector<16xi32>
      tpu.vector_store %arg6[%swap3A_291], %swap3A_294 {strides = array<i32>} : memref<2048xi32, #tpu.memory_space<vmem>>, vector<16xi32>,
      %add3A_295 = arith.constant 904960 : i32
      %add3A_296 = vector.broadcast %add3A_295 : i32 to vector<16xi32>
      %add3A_297 = arith.addi %get3A_218, %add3A_296 : vector<16xi32>
      %mul3A_298 = arith.constant 16 : i32
      %mul3A_299 = arith.muli %scan3A_214, %mul3A_298 : i32
      %add3A_300 = arith.constant 1792 : i32
      %add3A_301 = arith.addi %add3A_300, %mul3A_299 : i32
      %swap3A_302 = arith.index_cast %add3A_301 : i32 to index
      %swap3A_303 = tpu.vector_load %arg6[%swap3A_302] {strides = array<i32>} : memref<2048xi32, #tpu.memory_space<vmem>>, vector<16xi32>,
      %swap3A_304 = vector.shape_cast %swap3A_303 : vector<16xi32> to vector<16xi32>
      %swap3A_305 = vector.shape_cast %add3A_297 : vector<16xi32> to vector<16xi32>
      tpu.vector_store %arg6[%swap3A_302], %swap3A_305 {strides = array<i32>} : memref<2048xi32, #tpu.memory_space<vmem>>, vector<16xi32>,
    }
    %scan3A_7 = arith.constant 16 : i32
    %dma_start3A = arith.constant 0 : i32
    %dma_start3A_8 = tpu.memref_slice %arg7[%dma_start3A] : memref<2048xi32, #tpu.memory_space<vmem>> -> memref<128xi32, #tpu.memory_space<vmem>>
    %dma_start3A_9 = arith.constant 0 : i32
    %dma_start3A_10 = tpu.memref_slice %arg6[%dma_start3A_9] : memref<2048xi32, #tpu.memory_space<vmem>> -> memref<128xi32, #tpu.memory_space<vmem>>
    %dma_start3A_11 = arith.constant 0 : i32
    %dma_start3A_12 = tpu.memref_slice %arg2[%dma_start3A_11] : memref<1034240xi32, #tpu.memory_space<hbm>> -> memref<1034240xi32, #tpu.memory_space<hbm>>
    tpu.enqueue_indirect_dma source(%dma_start3A_12 : memref<1034240xi32, #tpu.memory_space<hbm>>) target(%dma_start3A_8 : memref<128xi32, #tpu.memory_space<vmem>>) offsets(%dma_start3A_10 : memref<128xi32, #tpu.memory_space<vmem>>) semaphore(%arg8 : memref<!tpu.dma_semaphore, #tpu.memory_space<semaphore_mem>>)
    %dma_start3A_13 = arith.constant 128 : i32
    %dma_start3A_14 = tpu.memref_slice %arg7[%dma_start3A_13] : memref<2048xi32, #tpu.memory_space<vmem>> -> memref<128xi32, #tpu.memory_space<vmem>>
    %dma_start3A_15 = arith.constant 128 : i32
    %dma_start3A_16 = tpu.memref_slice %arg6[%dma_start3A_15] : memref<2048xi32, #tpu.memory_space<vmem>> -> memref<128xi32, #tpu.memory_space<vmem>>
    %dma_start3A_17 = arith.constant 0 : i32
    %dma_start3A_18 = tpu.memref_slice %arg2[%dma_start3A_17] : memref<1034240xi32, #tpu.memory_space<hbm>> -> memref<1034240xi32, #tpu.memory_space<hbm>>
    tpu.enqueue_indirect_dma source(%dma_start3A_18 : memref<1034240xi32, #tpu.memory_space<hbm>>) target(%dma_start3A_14 : memref<128xi32, #tpu.memory_space<vmem>>) offsets(%dma_start3A_16 : memref<128xi32, #tpu.memory_space<vmem>>) semaphore(%arg8 : memref<!tpu.dma_semaphore, #tpu.memory_space<semaphore_mem>>)
    %dma_start3A_19 = arith.constant 256 : i32
    %dma_start3A_20 = tpu.memref_slice %arg7[%dma_start3A_19] : memref<2048xi32, #tpu.memory_space<vmem>> -> memref<128xi32, #tpu.memory_space<vmem>>
    %dma_start3A_21 = arith.constant 256 : i32
    %dma_start3A_22 = tpu.memref_slice %arg6[%dma_start3A_21] : memref<2048xi32, #tpu.memory_space<vmem>> -> memref<128xi32, #tpu.memory_space<vmem>>
    %dma_start3A_23 = arith.constant 0 : i32
    %dma_start3A_24 = tpu.memref_slice %arg2[%dma_start3A_23] : memref<1034240xi32, #tpu.memory_space<hbm>> -> memref<1034240xi32, #tpu.memory_space<hbm>>
    tpu.enqueue_indirect_dma source(%dma_start3A_24 : memref<1034240xi32, #tpu.memory_space<hbm>>) target(%dma_start3A_20 : memref<128xi32, #tpu.memory_space<vmem>>) offsets(%dma_start3A_22 : memref<128xi32, #tpu.memory_space<vmem>>) semaphore(%arg8 : memref<!tpu.dma_semaphore, #tpu.memory_space<semaphore_mem>>)
    %dma_start3A_25 = arith.constant 384 : i32
    %dma_start3A_26 = tpu.memref_slice %arg7[%dma_start3A_25] : memref<2048xi32, #tpu.memory_space<vmem>> -> memref<128xi32, #tpu.memory_space<vmem>>
    %dma_start3A_27 = arith.constant 384 : i32
    %dma_start3A_28 = tpu.memref_slice %arg6[%dma_start3A_27] : memref<2048xi32, #tpu.memory_space<vmem>> -> memref<128xi32, #tpu.memory_space<vmem>>
    %dma_start3A_29 = arith.constant 0 : i32
    %dma_start3A_30 = tpu.memref_slice %arg2[%dma_start3A_29] : memref<1034240xi32, #tpu.memory_space<hbm>> -> memref<1034240xi32, #tpu.memory_space<hbm>>
    tpu.enqueue_indirect_dma source(%dma_start3A_30 : memref<1034240xi32, #tpu.memory_space<hbm>>) target(%dma_start3A_26 : memref<128xi32, #tpu.memory_space<vmem>>) offsets(%dma_start3A_28 : memref<128xi32, #tpu.memory_space<vmem>>) semaphore(%arg8 : memref<!tpu.dma_semaphore, #tpu.memory_space<semaphore_mem>>)
    %dma_start3A_31 = arith.constant 512 : i32
    %dma_start3A_32 = tpu.memref_slice %arg7[%dma_start3A_31] : memref<2048xi32, #tpu.memory_space<vmem>> -> memref<128xi32, #tpu.memory_space<vmem>>
    %dma_start3A_33 = arith.constant 512 : i32
    %dma_start3A_34 = tpu.memref_slice %arg6[%dma_start3A_33] : memref<2048xi32, #tpu.memory_space<vmem>> -> memref<128xi32, #tpu.memory_space<vmem>>
    %dma_start3A_35 = arith.constant 0 : i32
    %dma_start3A_36 = tpu.memref_slice %arg2[%dma_start3A_35] : memref<1034240xi32, #tpu.memory_space<hbm>> -> memref<1034240xi32, #tpu.memory_space<hbm>>
    tpu.enqueue_indirect_dma source(%dma_start3A_36 : memref<1034240xi32, #tpu.memory_space<hbm>>) target(%dma_start3A_32 : memref<128xi32, #tpu.memory_space<vmem>>) offsets(%dma_start3A_34 : memref<128xi32, #tpu.memory_space<vmem>>) semaphore(%arg8 : memref<!tpu.dma_semaphore, #tpu.memory_space<semaphore_mem>>)
    %dma_start3A_37 = arith.constant 640 : i32
    %dma_start3A_38 = tpu.memref_slice %arg7[%dma_start3A_37] : memref<2048xi32, #tpu.memory_space<vmem>> -> memref<128xi32, #tpu.memory_space<vmem>>
    %dma_start3A_39 = arith.constant 640 : i32
    %dma_start3A_40 = tpu.memref_slice %arg6[%dma_start3A_39] : memref<2048xi32, #tpu.memory_space<vmem>> -> memref<128xi32, #tpu.memory_space<vmem>>
    %dma_start3A_41 = arith.constant 0 : i32
    %dma_start3A_42 = tpu.memref_slice %arg2[%dma_start3A_41] : memref<1034240xi32, #tpu.memory_space<hbm>> -> memref<1034240xi32, #tpu.memory_space<hbm>>
    tpu.enqueue_indirect_dma source(%dma_start3A_42 : memref<1034240xi32, #tpu.memory_space<hbm>>) target(%dma_start3A_38 : memref<128xi32, #tpu.memory_space<vmem>>) offsets(%dma_start3A_40 : memref<128xi32, #tpu.memory_space<vmem>>) semaphore(%arg8 : memref<!tpu.dma_semaphore, #tpu.memory_space<semaphore_mem>>)
    %dma_start3A_43 = arith.constant 768 : i32
    %dma_start3A_44 = tpu.memref_slice %arg7[%dma_start3A_43] : memref<2048xi32, #tpu.memory_space<vmem>> -> memref<128xi32, #tpu.memory_space<vmem>>
    %dma_start3A_45 = arith.constant 768 : i32
    %dma_start3A_46 = tpu.memref_slice %arg6[%dma_start3A_45] : memref<2048xi32, #tpu.memory_space<vmem>> -> memref<128xi32, #tpu.memory_space<vmem>>
    %dma_start3A_47 = arith.constant 0 : i32
    %dma_start3A_48 = tpu.memref_slice %arg2[%dma_start3A_47] : memref<1034240xi32, #tpu.memory_space<hbm>> -> memref<1034240xi32, #tpu.memory_space<hbm>>
    tpu.enqueue_indirect_dma source(%dma_start3A_48 : memref<1034240xi32, #tpu.memory_space<hbm>>) target(%dma_start3A_44 : memref<128xi32, #tpu.memory_space<vmem>>) offsets(%dma_start3A_46 : memref<128xi32, #tpu.memory_space<vmem>>) semaphore(%arg8 : memref<!tpu.dma_semaphore, #tpu.memory_space<semaphore_mem>>)
    %dma_start3A_49 = arith.constant 896 : i32
    %dma_start3A_50 = tpu.memref_slice %arg7[%dma_start3A_49] : memref<2048xi32, #tpu.memory_space<vmem>> -> memref<128xi32, #tpu.memory_space<vmem>>
    %dma_start3A_51 = arith.constant 896 : i32
    %dma_start3A_52 = tpu.memref_slice %arg6[%dma_start3A_51] : memref<2048xi32, #tpu.memory_space<vmem>> -> memref<128xi32, #tpu.memory_space<vmem>>
    %dma_start3A_53 = arith.constant 0 : i32
    %dma_start3A_54 = tpu.memref_slice %arg2[%dma_start3A_53] : memref<1034240xi32, #tpu.memory_space<hbm>> -> memref<1034240xi32, #tpu.memory_space<hbm>>
    tpu.enqueue_indirect_dma source(%dma_start3A_54 : memref<1034240xi32, #tpu.memory_space<hbm>>) target(%dma_start3A_50 : memref<128xi32, #tpu.memory_space<vmem>>) offsets(%dma_start3A_52 : memref<128xi32, #tpu.memory_space<vmem>>) semaphore(%arg8 : memref<!tpu.dma_semaphore, #tpu.memory_space<semaphore_mem>>)
    %dma_start3A_55 = arith.constant 1024 : i32
    %dma_start3A_56 = tpu.memref_slice %arg7[%dma_start3A_55] : memref<2048xi32, #tpu.memory_space<vmem>> -> memref<128xi32, #tpu.memory_space<vmem>>
    %dma_start3A_57 = arith.constant 1024 : i32
    %dma_start3A_58 = tpu.memref_slice %arg6[%dma_start3A_57] : memref<2048xi32, #tpu.memory_space<vmem>> -> memref<128xi32, #tpu.memory_space<vmem>>
    %dma_start3A_59 = arith.constant 0 : i32
    %dma_start3A_60 = tpu.memref_slice %arg2[%dma_start3A_59] : memref<1034240xi32, #tpu.memory_space<hbm>> -> memref<1034240xi32, #tpu.memory_space<hbm>>
    tpu.enqueue_indirect_dma source(%dma_start3A_60 : memref<1034240xi32, #tpu.memory_space<hbm>>) target(%dma_start3A_56 : memref<128xi32, #tpu.memory_space<vmem>>) offsets(%dma_start3A_58 : memref<128xi32, #tpu.memory_space<vmem>>) semaphore(%arg8 : memref<!tpu.dma_semaphore, #tpu.memory_space<semaphore_mem>>)
    %dma_start3A_61 = arith.constant 1152 : i32
    %dma_start3A_62 = tpu.memref_slice %arg7[%dma_start3A_61] : memref<2048xi32, #tpu.memory_space<vmem>> -> memref<128xi32, #tpu.memory_space<vmem>>
    %dma_start3A_63 = arith.constant 1152 : i32
    %dma_start3A_64 = tpu.memref_slice %arg6[%dma_start3A_63] : memref<2048xi32, #tpu.memory_space<vmem>> -> memref<128xi32, #tpu.memory_space<vmem>>
    %dma_start3A_65 = arith.constant 0 : i32
    %dma_start3A_66 = tpu.memref_slice %arg2[%dma_start3A_65] : memref<1034240xi32, #tpu.memory_space<hbm>> -> memref<1034240xi32, #tpu.memory_space<hbm>>
    tpu.enqueue_indirect_dma source(%dma_start3A_66 : memref<1034240xi32, #tpu.memory_space<hbm>>) target(%dma_start3A_62 : memref<128xi32, #tpu.memory_space<vmem>>) offsets(%dma_start3A_64 : memref<128xi32, #tpu.memory_space<vmem>>) semaphore(%arg8 : memref<!tpu.dma_semaphore, #tpu.memory_space<semaphore_mem>>)
    %dma_start3A_67 = arith.constant 1280 : i32
    %dma_start3A_68 = tpu.memref_slice %arg7[%dma_start3A_67] : memref<2048xi32, #tpu.memory_space<vmem>> -> memref<128xi32, #tpu.memory_space<vmem>>
    %dma_start3A_69 = arith.constant 1280 : i32
    %dma_start3A_70 = tpu.memref_slice %arg6[%dma_start3A_69] : memref<2048xi32, #tpu.memory_space<vmem>> -> memref<128xi32, #tpu.memory_space<vmem>>
    %dma_start3A_71 = arith.constant 0 : i32
    %dma_start3A_72 = tpu.memref_slice %arg2[%dma_start3A_71] : memref<1034240xi32, #tpu.memory_space<hbm>> -> memref<1034240xi32, #tpu.memory_space<hbm>>
    tpu.enqueue_indirect_dma source(%dma_start3A_72 : memref<1034240xi32, #tpu.memory_space<hbm>>) target(%dma_start3A_68 : memref<128xi32, #tpu.memory_space<vmem>>) offsets(%dma_start3A_70 : memref<128xi32, #tpu.memory_space<vmem>>) semaphore(%arg8 : memref<!tpu.dma_semaphore, #tpu.memory_space<semaphore_mem>>)
    %dma_start3A_73 = arith.constant 1408 : i32
    %dma_start3A_74 = tpu.memref_slice %arg7[%dma_start3A_73] : memref<2048xi32, #tpu.memory_space<vmem>> -> memref<128xi32, #tpu.memory_space<vmem>>
    %dma_start3A_75 = arith.constant 1408 : i32
    %dma_start3A_76 = tpu.memref_slice %arg6[%dma_start3A_75] : memref<2048xi32, #tpu.memory_space<vmem>> -> memref<128xi32, #tpu.memory_space<vmem>>
    %dma_start3A_77 = arith.constant 0 : i32
    %dma_start3A_78 = tpu.memref_slice %arg2[%dma_start3A_77] : memref<1034240xi32, #tpu.memory_space<hbm>> -> memref<1034240xi32, #tpu.memory_space<hbm>>
    tpu.enqueue_indirect_dma source(%dma_start3A_78 : memref<1034240xi32, #tpu.memory_space<hbm>>) target(%dma_start3A_74 : memref<128xi32, #tpu.memory_space<vmem>>) offsets(%dma_start3A_76 : memref<128xi32, #tpu.memory_space<vmem>>) semaphore(%arg8 : memref<!tpu.dma_semaphore, #tpu.memory_space<semaphore_mem>>)
    %dma_start3A_79 = arith.constant 1536 : i32
    %dma_start3A_80 = tpu.memref_slice %arg7[%dma_start3A_79] : memref<2048xi32, #tpu.memory_space<vmem>> -> memref<128xi32, #tpu.memory_space<vmem>>
    %dma_start3A_81 = arith.constant 1536 : i32
    %dma_start3A_82 = tpu.memref_slice %arg6[%dma_start3A_81] : memref<2048xi32, #tpu.memory_space<vmem>> -> memref<128xi32, #tpu.memory_space<vmem>>
    %dma_start3A_83 = arith.constant 0 : i32
    %dma_start3A_84 = tpu.memref_slice %arg2[%dma_start3A_83] : memref<1034240xi32, #tpu.memory_space<hbm>> -> memref<1034240xi32, #tpu.memory_space<hbm>>
    tpu.enqueue_indirect_dma source(%dma_start3A_84 : memref<1034240xi32, #tpu.memory_space<hbm>>) target(%dma_start3A_80 : memref<128xi32, #tpu.memory_space<vmem>>) offsets(%dma_start3A_82 : memref<128xi32, #tpu.memory_space<vmem>>) semaphore(%arg8 : memref<!tpu.dma_semaphore, #tpu.memory_space<semaphore_mem>>)
    %dma_start3A_85 = arith.constant 1664 : i32
    %dma_start3A_86 = tpu.memref_slice %arg7[%dma_start3A_85] : memref<2048xi32, #tpu.memory_space<vmem>> -> memref<128xi32, #tpu.memory_space<vmem>>
    %dma_start3A_87 = arith.constant 1664 : i32
    %dma_start3A_88 = tpu.memref_slice %arg6[%dma_start3A_87] : memref<2048xi32, #tpu.memory_space<vmem>> -> memref<128xi32, #tpu.memory_space<vmem>>
    %dma_start3A_89 = arith.constant 0 : i32
    %dma_start3A_90 = tpu.memref_slice %arg2[%dma_start3A_89] : memref<1034240xi32, #tpu.memory_space<hbm>> -> memref<1034240xi32, #tpu.memory_space<hbm>>
    tpu.enqueue_indirect_dma source(%dma_start3A_90 : memref<1034240xi32, #tpu.memory_space<hbm>>) target(%dma_start3A_86 : memref<128xi32, #tpu.memory_space<vmem>>) offsets(%dma_start3A_88 : memref<128xi32, #tpu.memory_space<vmem>>) semaphore(%arg8 : memref<!tpu.dma_semaphore, #tpu.memory_space<semaphore_mem>>)
    %dma_start3A_91 = arith.constant 1792 : i32
    %dma_start3A_92 = tpu.memref_slice %arg7[%dma_start3A_91] : memref<2048xi32, #tpu.memory_space<vmem>> -> memref<128xi32, #tpu.memory_space<vmem>>
    %dma_start3A_93 = arith.constant 1792 : i32
    %dma_start3A_94 = tpu.memref_slice %arg6[%dma_start3A_93] : memref<2048xi32, #tpu.memory_space<vmem>> -> memref<128xi32, #tpu.memory_space<vmem>>
    %dma_start3A_95 = arith.constant 0 : i32
    %dma_start3A_96 = tpu.memref_slice %arg2[%dma_start3A_95] : memref<1034240xi32, #tpu.memory_space<hbm>> -> memref<1034240xi32, #tpu.memory_space<hbm>>
    tpu.enqueue_indirect_dma source(%dma_start3A_96 : memref<1034240xi32, #tpu.memory_space<hbm>>) target(%dma_start3A_92 : memref<128xi32, #tpu.memory_space<vmem>>) offsets(%dma_start3A_94 : memref<128xi32, #tpu.memory_space<vmem>>) semaphore(%arg8 : memref<!tpu.dma_semaphore, #tpu.memory_space<semaphore_mem>>)
    %dma_start3A_97 = arith.constant 1920 : i32
    %dma_start3A_98 = tpu.memref_slice %arg7[%dma_start3A_97] : memref<2048xi32, #tpu.memory_space<vmem>> -> memref<128xi32, #tpu.memory_space<vmem>>
    %dma_start3A_99 = arith.constant 1920 : i32
    %dma_start3A_100 = tpu.memref_slice %arg6[%dma_start3A_99] : memref<2048xi32, #tpu.memory_space<vmem>> -> memref<128xi32, #tpu.memory_space<vmem>>
    %dma_start3A_101 = arith.constant 0 : i32
    %dma_start3A_102 = tpu.memref_slice %arg2[%dma_start3A_101] : memref<1034240xi32, #tpu.memory_space<hbm>> -> memref<1034240xi32, #tpu.memory_space<hbm>>
    tpu.enqueue_indirect_dma source(%dma_start3A_102 : memref<1034240xi32, #tpu.memory_space<hbm>>) target(%dma_start3A_98 : memref<128xi32, #tpu.memory_space<vmem>>) offsets(%dma_start3A_100 : memref<128xi32, #tpu.memory_space<vmem>>) semaphore(%arg8 : memref<!tpu.dma_semaphore, #tpu.memory_space<semaphore_mem>>)
    %dma_wait3A = arith.constant 0 : i32
    %dma_wait3A_103 = tpu.memref_slice %arg7[%dma_wait3A] : memref<2048xi32, #tpu.memory_space<vmem>> -> memref<128xi32, #tpu.memory_space<vmem>>
    %dma_wait3A_104 = arith.constant 0 : i32
    %dma_wait3A_105 = tpu.memref_slice %arg6[%dma_wait3A_104] : memref<2048xi32, #tpu.memory_space<vmem>> -> memref<128xi32, #tpu.memory_space<vmem>>
    %dma_wait3A_106 = arith.constant 0 : i32
    %dma_wait3A_107 = tpu.memref_slice %arg2[%dma_wait3A_106] : memref<1034240xi32, #tpu.memory_space<hbm>> -> memref<1034240xi32, #tpu.memory_space<hbm>>
    tpu.wait_indirect_dma semaphore(%arg8 : memref<!tpu.dma_semaphore, #tpu.memory_space<semaphore_mem>>) src(%dma_wait3A_107 : memref<1034240xi32, #tpu.memory_space<hbm>>) dst(%dma_wait3A_103 : memref<128xi32, #tpu.memory_space<vmem>>)
    %dma_wait3A_108 = arith.constant 128 : i32
    %dma_wait3A_109 = tpu.memref_slice %arg7[%dma_wait3A_108] : memref<2048xi32, #tpu.memory_space<vmem>> -> memref<128xi32, #tpu.memory_space<vmem>>
    %dma_wait3A_110 = arith.constant 128 : i32
    %dma_wait3A_111 = tpu.memref_slice %arg6[%dma_wait3A_110] : memref<2048xi32, #tpu.memory_space<vmem>> -> memref<128xi32, #tpu.memory_space<vmem>>
    %dma_wait3A_112 = arith.constant 0 : i32
    %dma_wait3A_113 = tpu.memref_slice %arg2[%dma_wait3A_112] : memref<1034240xi32, #tpu.memory_space<hbm>> -> memref<1034240xi32, #tpu.memory_space<hbm>>
    tpu.wait_indirect_dma semaphore(%arg8 : memref<!tpu.dma_semaphore, #tpu.memory_space<semaphore_mem>>) src(%dma_wait3A_113 : memref<1034240xi32, #tpu.memory_space<hbm>>) dst(%dma_wait3A_109 : memref<128xi32, #tpu.memory_space<vmem>>)
    %dma_wait3A_114 = arith.constant 256 : i32
    %dma_wait3A_115 = tpu.memref_slice %arg7[%dma_wait3A_114] : memref<2048xi32, #tpu.memory_space<vmem>> -> memref<128xi32, #tpu.memory_space<vmem>>
    %dma_wait3A_116 = arith.constant 256 : i32
    %dma_wait3A_117 = tpu.memref_slice %arg6[%dma_wait3A_116] : memref<2048xi32, #tpu.memory_space<vmem>> -> memref<128xi32, #tpu.memory_space<vmem>>
    %dma_wait3A_118 = arith.constant 0 : i32
    %dma_wait3A_119 = tpu.memref_slice %arg2[%dma_wait3A_118] : memref<1034240xi32, #tpu.memory_space<hbm>> -> memref<1034240xi32, #tpu.memory_space<hbm>>
    tpu.wait_indirect_dma semaphore(%arg8 : memref<!tpu.dma_semaphore, #tpu.memory_space<semaphore_mem>>) src(%dma_wait3A_119 : memref<1034240xi32, #tpu.memory_space<hbm>>) dst(%dma_wait3A_115 : memref<128xi32, #tpu.memory_space<vmem>>)
    %dma_wait3A_120 = arith.constant 384 : i32
    %dma_wait3A_121 = tpu.memref_slice %arg7[%dma_wait3A_120] : memref<2048xi32, #tpu.memory_space<vmem>> -> memref<128xi32, #tpu.memory_space<vmem>>
    %dma_wait3A_122 = arith.constant 384 : i32
    %dma_wait3A_123 = tpu.memref_slice %arg6[%dma_wait3A_122] : memref<2048xi32, #tpu.memory_space<vmem>> -> memref<128xi32, #tpu.memory_space<vmem>>
    %dma_wait3A_124 = arith.constant 0 : i32
    %dma_wait3A_125 = tpu.memref_slice %arg2[%dma_wait3A_124] : memref<1034240xi32, #tpu.memory_space<hbm>> -> memref<1034240xi32, #tpu.memory_space<hbm>>
    tpu.wait_indirect_dma semaphore(%arg8 : memref<!tpu.dma_semaphore, #tpu.memory_space<semaphore_mem>>) src(%dma_wait3A_125 : memref<1034240xi32, #tpu.memory_space<hbm>>) dst(%dma_wait3A_121 : memref<128xi32, #tpu.memory_space<vmem>>)
    %dma_wait3A_126 = arith.constant 512 : i32
    %dma_wait3A_127 = tpu.memref_slice %arg7[%dma_wait3A_126] : memref<2048xi32, #tpu.memory_space<vmem>> -> memref<128xi32, #tpu.memory_space<vmem>>
    %dma_wait3A_128 = arith.constant 512 : i32
    %dma_wait3A_129 = tpu.memref_slice %arg6[%dma_wait3A_128] : memref<2048xi32, #tpu.memory_space<vmem>> -> memref<128xi32, #tpu.memory_space<vmem>>
    %dma_wait3A_130 = arith.constant 0 : i32
    %dma_wait3A_131 = tpu.memref_slice %arg2[%dma_wait3A_130] : memref<1034240xi32, #tpu.memory_space<hbm>> -> memref<1034240xi32, #tpu.memory_space<hbm>>
    tpu.wait_indirect_dma semaphore(%arg8 : memref<!tpu.dma_semaphore, #tpu.memory_space<semaphore_mem>>) src(%dma_wait3A_131 : memref<1034240xi32, #tpu.memory_space<hbm>>) dst(%dma_wait3A_127 : memref<128xi32, #tpu.memory_space<vmem>>)
    %dma_wait3A_132 = arith.constant 640 : i32
    %dma_wait3A_133 = tpu.memref_slice %arg7[%dma_wait3A_132] : memref<2048xi32, #tpu.memory_space<vmem>> -> memref<128xi32, #tpu.memory_space<vmem>>
    %dma_wait3A_134 = arith.constant 640 : i32
    %dma_wait3A_135 = tpu.memref_slice %arg6[%dma_wait3A_134] : memref<2048xi32, #tpu.memory_space<vmem>> -> memref<128xi32, #tpu.memory_space<vmem>>
    %dma_wait3A_136 = arith.constant 0 : i32
    %dma_wait3A_137 = tpu.memref_slice %arg2[%dma_wait3A_136] : memref<1034240xi32, #tpu.memory_space<hbm>> -> memref<1034240xi32, #tpu.memory_space<hbm>>
    tpu.wait_indirect_dma semaphore(%arg8 : memref<!tpu.dma_semaphore, #tpu.memory_space<semaphore_mem>>) src(%dma_wait3A_137 : memref<1034240xi32, #tpu.memory_space<hbm>>) dst(%dma_wait3A_133 : memref<128xi32, #tpu.memory_space<vmem>>)
    %dma_wait3A_138 = arith.constant 768 : i32
    %dma_wait3A_139 = tpu.memref_slice %arg7[%dma_wait3A_138] : memref<2048xi32, #tpu.memory_space<vmem>> -> memref<128xi32, #tpu.memory_space<vmem>>
    %dma_wait3A_140 = arith.constant 768 : i32
    %dma_wait3A_141 = tpu.memref_slice %arg6[%dma_wait3A_140] : memref<2048xi32, #tpu.memory_space<vmem>> -> memref<128xi32, #tpu.memory_space<vmem>>
    %dma_wait3A_142 = arith.constant 0 : i32
    %dma_wait3A_143 = tpu.memref_slice %arg2[%dma_wait3A_142] : memref<1034240xi32, #tpu.memory_space<hbm>> -> memref<1034240xi32, #tpu.memory_space<hbm>>
    tpu.wait_indirect_dma semaphore(%arg8 : memref<!tpu.dma_semaphore, #tpu.memory_space<semaphore_mem>>) src(%dma_wait3A_143 : memref<1034240xi32, #tpu.memory_space<hbm>>) dst(%dma_wait3A_139 : memref<128xi32, #tpu.memory_space<vmem>>)
    %dma_wait3A_144 = arith.constant 896 : i32
    %dma_wait3A_145 = tpu.memref_slice %arg7[%dma_wait3A_144] : memref<2048xi32, #tpu.memory_space<vmem>> -> memref<128xi32, #tpu.memory_space<vmem>>
    %dma_wait3A_146 = arith.constant 896 : i32
    %dma_wait3A_147 = tpu.memref_slice %arg6[%dma_wait3A_146] : memref<2048xi32, #tpu.memory_space<vmem>> -> memref<128xi32, #tpu.memory_space<vmem>>
    %dma_wait3A_148 = arith.constant 0 : i32
    %dma_wait3A_149 = tpu.memref_slice %arg2[%dma_wait3A_148] : memref<1034240xi32, #tpu.memory_space<hbm>> -> memref<1034240xi32, #tpu.memory_space<hbm>>
    tpu.wait_indirect_dma semaphore(%arg8 : memref<!tpu.dma_semaphore, #tpu.memory_space<semaphore_mem>>) src(%dma_wait3A_149 : memref<1034240xi32, #tpu.memory_space<hbm>>) dst(%dma_wait3A_145 : memref<128xi32, #tpu.memory_space<vmem>>)
    %dma_wait3A_150 = arith.constant 1024 : i32
    %dma_wait3A_151 = tpu.memref_slice %arg7[%dma_wait3A_150] : memref<2048xi32, #tpu.memory_space<vmem>> -> memref<128xi32, #tpu.memory_space<vmem>>
    %dma_wait3A_152 = arith.constant 1024 : i32
    %dma_wait3A_153 = tpu.memref_slice %arg6[%dma_wait3A_152] : memref<2048xi32, #tpu.memory_space<vmem>> -> memref<128xi32, #tpu.memory_space<vmem>>
    %dma_wait3A_154 = arith.constant 0 : i32
    %dma_wait3A_155 = tpu.memref_slice %arg2[%dma_wait3A_154] : memref<1034240xi32, #tpu.memory_space<hbm>> -> memref<1034240xi32, #tpu.memory_space<hbm>>
    tpu.wait_indirect_dma semaphore(%arg8 : memref<!tpu.dma_semaphore, #tpu.memory_space<semaphore_mem>>) src(%dma_wait3A_155 : memref<1034240xi32, #tpu.memory_space<hbm>>) dst(%dma_wait3A_151 : memref<128xi32, #tpu.memory_space<vmem>>)
    %dma_wait3A_156 = arith.constant 1152 : i32
    %dma_wait3A_157 = tpu.memref_slice %arg7[%dma_wait3A_156] : memref<2048xi32, #tpu.memory_space<vmem>> -> memref<128xi32, #tpu.memory_space<vmem>>
    %dma_wait3A_158 = arith.constant 1152 : i32
    %dma_wait3A_159 = tpu.memref_slice %arg6[%dma_wait3A_158] : memref<2048xi32, #tpu.memory_space<vmem>> -> memref<128xi32, #tpu.memory_space<vmem>>
    %dma_wait3A_160 = arith.constant 0 : i32
    %dma_wait3A_161 = tpu.memref_slice %arg2[%dma_wait3A_160] : memref<1034240xi32, #tpu.memory_space<hbm>> -> memref<1034240xi32, #tpu.memory_space<hbm>>
    tpu.wait_indirect_dma semaphore(%arg8 : memref<!tpu.dma_semaphore, #tpu.memory_space<semaphore_mem>>) src(%dma_wait3A_161 : memref<1034240xi32, #tpu.memory_space<hbm>>) dst(%dma_wait3A_157 : memref<128xi32, #tpu.memory_space<vmem>>)
    %dma_wait3A_162 = arith.constant 1280 : i32
    %dma_wait3A_163 = tpu.memref_slice %arg7[%dma_wait3A_162] : memref<2048xi32, #tpu.memory_space<vmem>> -> memref<128xi32, #tpu.memory_space<vmem>>
    %dma_wait3A_164 = arith.constant 1280 : i32
    %dma_wait3A_165 = tpu.memref_slice %arg6[%dma_wait3A_164] : memref<2048xi32, #tpu.memory_space<vmem>> -> memref<128xi32, #tpu.memory_space<vmem>>
    %dma_wait3A_166 = arith.constant 0 : i32
    %dma_wait3A_167 = tpu.memref_slice %arg2[%dma_wait3A_166] : memref<1034240xi32, #tpu.memory_space<hbm>> -> memref<1034240xi32, #tpu.memory_space<hbm>>
    tpu.wait_indirect_dma semaphore(%arg8 : memref<!tpu.dma_semaphore, #tpu.memory_space<semaphore_mem>>) src(%dma_wait3A_167 : memref<1034240xi32, #tpu.memory_space<hbm>>) dst(%dma_wait3A_163 : memref<128xi32, #tpu.memory_space<vmem>>)
    %dma_wait3A_168 = arith.constant 1408 : i32
    %dma_wait3A_169 = tpu.memref_slice %arg7[%dma_wait3A_168] : memref<2048xi32, #tpu.memory_space<vmem>> -> memref<128xi32, #tpu.memory_space<vmem>>
    %dma_wait3A_170 = arith.constant 1408 : i32
    %dma_wait3A_171 = tpu.memref_slice %arg6[%dma_wait3A_170] : memref<2048xi32, #tpu.memory_space<vmem>> -> memref<128xi32, #tpu.memory_space<vmem>>
    %dma_wait3A_172 = arith.constant 0 : i32
    %dma_wait3A_173 = tpu.memref_slice %arg2[%dma_wait3A_172] : memref<1034240xi32, #tpu.memory_space<hbm>> -> memref<1034240xi32, #tpu.memory_space<hbm>>
    tpu.wait_indirect_dma semaphore(%arg8 : memref<!tpu.dma_semaphore, #tpu.memory_space<semaphore_mem>>) src(%dma_wait3A_173 : memref<1034240xi32, #tpu.memory_space<hbm>>) dst(%dma_wait3A_169 : memref<128xi32, #tpu.memory_space<vmem>>)
    %dma_wait3A_174 = arith.constant 1536 : i32
    %dma_wait3A_175 = tpu.memref_slice %arg7[%dma_wait3A_174] : memref<2048xi32, #tpu.memory_space<vmem>> -> memref<128xi32, #tpu.memory_space<vmem>>
    %dma_wait3A_176 = arith.constant 1536 : i32
    %dma_wait3A_177 = tpu.memref_slice %arg6[%dma_wait3A_176] : memref<2048xi32, #tpu.memory_space<vmem>> -> memref<128xi32, #tpu.memory_space<vmem>>
    %dma_wait3A_178 = arith.constant 0 : i32
    %dma_wait3A_179 = tpu.memref_slice %arg2[%dma_wait3A_178] : memref<1034240xi32, #tpu.memory_space<hbm>> -> memref<1034240xi32, #tpu.memory_space<hbm>>
    tpu.wait_indirect_dma semaphore(%arg8 : memref<!tpu.dma_semaphore, #tpu.memory_space<semaphore_mem>>) src(%dma_wait3A_179 : memref<1034240xi32, #tpu.memory_space<hbm>>) dst(%dma_wait3A_175 : memref<128xi32, #tpu.memory_space<vmem>>)
    %dma_wait3A_180 = arith.constant 1664 : i32
    %dma_wait3A_181 = tpu.memref_slice %arg7[%dma_wait3A_180] : memref<2048xi32, #tpu.memory_space<vmem>> -> memref<128xi32, #tpu.memory_space<vmem>>
    %dma_wait3A_182 = arith.constant 1664 : i32
    %dma_wait3A_183 = tpu.memref_slice %arg6[%dma_wait3A_182] : memref<2048xi32, #tpu.memory_space<vmem>> -> memref<128xi32, #tpu.memory_space<vmem>>
    %dma_wait3A_184 = arith.constant 0 : i32
    %dma_wait3A_185 = tpu.memref_slice %arg2[%dma_wait3A_184] : memref<1034240xi32, #tpu.memory_space<hbm>> -> memref<1034240xi32, #tpu.memory_space<hbm>>
    tpu.wait_indirect_dma semaphore(%arg8 : memref<!tpu.dma_semaphore, #tpu.memory_space<semaphore_mem>>) src(%dma_wait3A_185 : memref<1034240xi32, #tpu.memory_space<hbm>>) dst(%dma_wait3A_181 : memref<128xi32, #tpu.memory_space<vmem>>)
    %dma_wait3A_186 = arith.constant 1792 : i32
    %dma_wait3A_187 = tpu.memref_slice %arg7[%dma_wait3A_186] : memref<2048xi32, #tpu.memory_space<vmem>> -> memref<128xi32, #tpu.memory_space<vmem>>
    %dma_wait3A_188 = arith.constant 1792 : i32
    %dma_wait3A_189 = tpu.memref_slice %arg6[%dma_wait3A_188] : memref<2048xi32, #tpu.memory_space<vmem>> -> memref<128xi32, #tpu.memory_space<vmem>>
    %dma_wait3A_190 = arith.constant 0 : i32
    %dma_wait3A_191 = tpu.memref_slice %arg2[%dma_wait3A_190] : memref<1034240xi32, #tpu.memory_space<hbm>> -> memref<1034240xi32, #tpu.memory_space<hbm>>
    tpu.wait_indirect_dma semaphore(%arg8 : memref<!tpu.dma_semaphore, #tpu.memory_space<semaphore_mem>>) src(%dma_wait3A_191 : memref<1034240xi32, #tpu.memory_space<hbm>>) dst(%dma_wait3A_187 : memref<128xi32, #tpu.memory_space<vmem>>)
    %dma_wait3A_192 = arith.constant 1920 : i32
    %dma_wait3A_193 = tpu.memref_slice %arg7[%dma_wait3A_192] : memref<2048xi32, #tpu.memory_space<vmem>> -> memref<128xi32, #tpu.memory_space<vmem>>
    %dma_wait3A_194 = arith.constant 1920 : i32
    %dma_wait3A_195 = tpu.memref_slice %arg6[%dma_wait3A_194] : memref<2048xi32, #tpu.memory_space<vmem>> -> memref<128xi32, #tpu.memory_space<vmem>>
    %dma_wait3A_196 = arith.constant 0 : i32
    %dma_wait3A_197 = tpu.memref_slice %arg2[%dma_wait3A_196] : memref<1034240xi32, #tpu.memory_space<hbm>> -> memref<1034240xi32, #tpu.memory_space<hbm>>
    tpu.wait_indirect_dma semaphore(%arg8 : memref<!tpu.dma_semaphore, #tpu.memory_space<semaphore_mem>>) src(%dma_wait3A_197 : memref<1034240xi32, #tpu.memory_space<hbm>>) dst(%dma_wait3A_193 : memref<128xi32, #tpu.memory_space<vmem>>)
    %add3A_198 = arith.constant 0 : i32
    %add3A_199 = arith.addi %add3A_198, %mul3A_2 : i32
    "tpu.region"() ({
      %run_scoped3A = tpu.sem_alloc : memref<!tpu.dma_semaphore, #tpu.memory_space<semaphore_mem>>
      %dma_start3A_214 = arith.constant 0 : i32
      %dma_start3A_215 = tpu.memref_slice %arg7[%dma_start3A_214] : memref<2048xi32, #tpu.memory_space<vmem>> -> memref<256xi32, #tpu.memory_space<vmem>>
      %dma_start3A_216 = tpu.memref_slice %arg4[%add3A_199] : memref<65536xi32, #tpu.memory_space<hbm>> -> memref<256xi32, #tpu.memory_space<hbm>>
      %dma_start3A_217 = tpu.memref_slice %arg4[%add3A_199] : memref<65536xi32, #tpu.memory_space<hbm>> -> memref<256xi32, #tpu.memory_space<hbm>>
      %dma_start3A_218 = arith.constant 0 : i32
      %dma_start3A_219 = tpu.memref_slice %arg7[%dma_start3A_218] : memref<2048xi32, #tpu.memory_space<vmem>> -> memref<256xi32, #tpu.memory_space<vmem>>
      tpu.enqueue_dma source(%dma_start3A_219 : memref<256xi32, #tpu.memory_space<vmem>>) target(%dma_start3A_217 : memref<256xi32, #tpu.memory_space<hbm>>) target_semaphore(%run_scoped3A : memref<!tpu.dma_semaphore, #tpu.memory_space<semaphore_mem>>)
      %dma_wait3A_220 = arith.constant 0 : i32
      %dma_wait3A_221 = tpu.memref_slice %arg7[%dma_wait3A_220] : memref<2048xi32, #tpu.memory_space<vmem>> -> memref<256xi32, #tpu.memory_space<vmem>>
      %dma_wait3A_222 = tpu.memref_slice %arg4[%add3A_199] : memref<65536xi32, #tpu.memory_space<hbm>> -> memref<256xi32, #tpu.memory_space<hbm>>
      %dma_wait3A_223 = tpu.memref_slice %arg4[%add3A_199] : memref<65536xi32, #tpu.memory_space<hbm>> -> memref<256xi32, #tpu.memory_space<hbm>>
      %dma_wait3A_224 = arith.constant 0 : i32
      %dma_wait3A_225 = tpu.memref_slice %arg7[%dma_wait3A_224] : memref<2048xi32, #tpu.memory_space<vmem>> -> memref<256xi32, #tpu.memory_space<vmem>>
      tpu.wait_dma2 semaphore(%run_scoped3A : memref<!tpu.dma_semaphore, #tpu.memory_space<semaphore_mem>>) src(%dma_wait3A_225 : memref<256xi32, #tpu.memory_space<vmem>>) dst(%dma_wait3A_223 : memref<256xi32, #tpu.memory_space<hbm>>)
      tpu.yield
    }) : () -> ()
    %add3A_200 = arith.constant 8192 : i32
    %add3A_201 = arith.addi %add3A_200, %mul3A_2 : i32
    "tpu.region"() ({
      %run_scoped3A = tpu.sem_alloc : memref<!tpu.dma_semaphore, #tpu.memory_space<semaphore_mem>>
      %dma_start3A_214 = arith.constant 256 : i32
      %dma_start3A_215 = tpu.memref_slice %arg7[%dma_start3A_214] : memref<2048xi32, #tpu.memory_space<vmem>> -> memref<256xi32, #tpu.memory_space<vmem>>
      %dma_start3A_216 = tpu.memref_slice %arg4[%add3A_201] : memref<65536xi32, #tpu.memory_space<hbm>> -> memref<256xi32, #tpu.memory_space<hbm>>
      %dma_start3A_217 = tpu.memref_slice %arg4[%add3A_201] : memref<65536xi32, #tpu.memory_space<hbm>> -> memref<256xi32, #tpu.memory_space<hbm>>
      %dma_start3A_218 = arith.constant 256 : i32
      %dma_start3A_219 = tpu.memref_slice %arg7[%dma_start3A_218] : memref<2048xi32, #tpu.memory_space<vmem>> -> memref<256xi32, #tpu.memory_space<vmem>>
      tpu.enqueue_dma source(%dma_start3A_219 : memref<256xi32, #tpu.memory_space<vmem>>) target(%dma_start3A_217 : memref<256xi32, #tpu.memory_space<hbm>>) target_semaphore(%run_scoped3A : memref<!tpu.dma_semaphore, #tpu.memory_space<semaphore_mem>>)
      %dma_wait3A_220 = arith.constant 256 : i32
      %dma_wait3A_221 = tpu.memref_slice %arg7[%dma_wait3A_220] : memref<2048xi32, #tpu.memory_space<vmem>> -> memref<256xi32, #tpu.memory_space<vmem>>
      %dma_wait3A_222 = tpu.memref_slice %arg4[%add3A_201] : memref<65536xi32, #tpu.memory_space<hbm>> -> memref<256xi32, #tpu.memory_space<hbm>>
      %dma_wait3A_223 = tpu.memref_slice %arg4[%add3A_201] : memref<65536xi32, #tpu.memory_space<hbm>> -> memref<256xi32, #tpu.memory_space<hbm>>
      %dma_wait3A_224 = arith.constant 256 : i32
      %dma_wait3A_225 = tpu.memref_slice %arg7[%dma_wait3A_224] : memref<2048xi32, #tpu.memory_space<vmem>> -> memref<256xi32, #tpu.memory_space<vmem>>
      tpu.wait_dma2 semaphore(%run_scoped3A : memref<!tpu.dma_semaphore, #tpu.memory_space<semaphore_mem>>) src(%dma_wait3A_225 : memref<256xi32, #tpu.memory_space<vmem>>) dst(%dma_wait3A_223 : memref<256xi32, #tpu.memory_space<hbm>>)
      tpu.yield
    }) : () -> ()
    %add3A_202 = arith.constant 16384 : i32
    %add3A_203 = arith.addi %add3A_202, %mul3A_2 : i32
    "tpu.region"() ({
      %run_scoped3A = tpu.sem_alloc : memref<!tpu.dma_semaphore, #tpu.memory_space<semaphore_mem>>
      %dma_start3A_214 = arith.constant 512 : i32
      %dma_start3A_215 = tpu.memref_slice %arg7[%dma_start3A_214] : memref<2048xi32, #tpu.memory_space<vmem>> -> memref<256xi32, #tpu.memory_space<vmem>>
      %dma_start3A_216 = tpu.memref_slice %arg4[%add3A_203] : memref<65536xi32, #tpu.memory_space<hbm>> -> memref<256xi32, #tpu.memory_space<hbm>>
      %dma_start3A_217 = tpu.memref_slice %arg4[%add3A_203] : memref<65536xi32, #tpu.memory_space<hbm>> -> memref<256xi32, #tpu.memory_space<hbm>>
      %dma_start3A_218 = arith.constant 512 : i32
      %dma_start3A_219 = tpu.memref_slice %arg7[%dma_start3A_218] : memref<2048xi32, #tpu.memory_space<vmem>> -> memref<256xi32, #tpu.memory_space<vmem>>
      tpu.enqueue_dma source(%dma_start3A_219 : memref<256xi32, #tpu.memory_space<vmem>>) target(%dma_start3A_217 : memref<256xi32, #tpu.memory_space<hbm>>) target_semaphore(%run_scoped3A : memref<!tpu.dma_semaphore, #tpu.memory_space<semaphore_mem>>)
      %dma_wait3A_220 = arith.constant 512 : i32
      %dma_wait3A_221 = tpu.memref_slice %arg7[%dma_wait3A_220] : memref<2048xi32, #tpu.memory_space<vmem>> -> memref<256xi32, #tpu.memory_space<vmem>>
      %dma_wait3A_222 = tpu.memref_slice %arg4[%add3A_203] : memref<65536xi32, #tpu.memory_space<hbm>> -> memref<256xi32, #tpu.memory_space<hbm>>
      %dma_wait3A_223 = tpu.memref_slice %arg4[%add3A_203] : memref<65536xi32, #tpu.memory_space<hbm>> -> memref<256xi32, #tpu.memory_space<hbm>>
      %dma_wait3A_224 = arith.constant 512 : i32
      %dma_wait3A_225 = tpu.memref_slice %arg7[%dma_wait3A_224] : memref<2048xi32, #tpu.memory_space<vmem>> -> memref<256xi32, #tpu.memory_space<vmem>>
      tpu.wait_dma2 semaphore(%run_scoped3A : memref<!tpu.dma_semaphore, #tpu.memory_space<semaphore_mem>>) src(%dma_wait3A_225 : memref<256xi32, #tpu.memory_space<vmem>>) dst(%dma_wait3A_223 : memref<256xi32, #tpu.memory_space<hbm>>)
      tpu.yield
    }) : () -> ()
    %add3A_204 = arith.constant 24576 : i32
    %add3A_205 = arith.addi %add3A_204, %mul3A_2 : i32
    "tpu.region"() ({
      %run_scoped3A = tpu.sem_alloc : memref<!tpu.dma_semaphore, #tpu.memory_space<semaphore_mem>>
      %dma_start3A_214 = arith.constant 768 : i32
      %dma_start3A_215 = tpu.memref_slice %arg7[%dma_start3A_214] : memref<2048xi32, #tpu.memory_space<vmem>> -> memref<256xi32, #tpu.memory_space<vmem>>
      %dma_start3A_216 = tpu.memref_slice %arg4[%add3A_205] : memref<65536xi32, #tpu.memory_space<hbm>> -> memref<256xi32, #tpu.memory_space<hbm>>
      %dma_start3A_217 = tpu.memref_slice %arg4[%add3A_205] : memref<65536xi32, #tpu.memory_space<hbm>> -> memref<256xi32, #tpu.memory_space<hbm>>
      %dma_start3A_218 = arith.constant 768 : i32
      %dma_start3A_219 = tpu.memref_slice %arg7[%dma_start3A_218] : memref<2048xi32, #tpu.memory_space<vmem>> -> memref<256xi32, #tpu.memory_space<vmem>>
      tpu.enqueue_dma source(%dma_start3A_219 : memref<256xi32, #tpu.memory_space<vmem>>) target(%dma_start3A_217 : memref<256xi32, #tpu.memory_space<hbm>>) target_semaphore(%run_scoped3A : memref<!tpu.dma_semaphore, #tpu.memory_space<semaphore_mem>>)
      %dma_wait3A_220 = arith.constant 768 : i32
      %dma_wait3A_221 = tpu.memref_slice %arg7[%dma_wait3A_220] : memref<2048xi32, #tpu.memory_space<vmem>> -> memref<256xi32, #tpu.memory_space<vmem>>
      %dma_wait3A_222 = tpu.memref_slice %arg4[%add3A_205] : memref<65536xi32, #tpu.memory_space<hbm>> -> memref<256xi32, #tpu.memory_space<hbm>>
      %dma_wait3A_223 = tpu.memref_slice %arg4[%add3A_205] : memref<65536xi32, #tpu.memory_space<hbm>> -> memref<256xi32, #tpu.memory_space<hbm>>
      %dma_wait3A_224 = arith.constant 768 : i32
      %dma_wait3A_225 = tpu.memref_slice %arg7[%dma_wait3A_224] : memref<2048xi32, #tpu.memory_space<vmem>> -> memref<256xi32, #tpu.memory_space<vmem>>
      tpu.wait_dma2 semaphore(%run_scoped3A : memref<!tpu.dma_semaphore, #tpu.memory_space<semaphore_mem>>) src(%dma_wait3A_225 : memref<256xi32, #tpu.memory_space<vmem>>) dst(%dma_wait3A_223 : memref<256xi32, #tpu.memory_space<hbm>>)
      tpu.yield
    }) : () -> ()
    %add3A_206 = arith.constant 32768 : i32
    %add3A_207 = arith.addi %add3A_206, %mul3A_2 : i32
    "tpu.region"() ({
      %run_scoped3A = tpu.sem_alloc : memref<!tpu.dma_semaphore, #tpu.memory_space<semaphore_mem>>
      %dma_start3A_214 = arith.constant 1024 : i32
      %dma_start3A_215 = tpu.memref_slice %arg7[%dma_start3A_214] : memref<2048xi32, #tpu.memory_space<vmem>> -> memref<256xi32, #tpu.memory_space<vmem>>
      %dma_start3A_216 = tpu.memref_slice %arg4[%add3A_207] : memref<65536xi32, #tpu.memory_space<hbm>> -> memref<256xi32, #tpu.memory_space<hbm>>
      %dma_start3A_217 = tpu.memref_slice %arg4[%add3A_207] : memref<65536xi32, #tpu.memory_space<hbm>> -> memref<256xi32, #tpu.memory_space<hbm>>
      %dma_start3A_218 = arith.constant 1024 : i32
      %dma_start3A_219 = tpu.memref_slice %arg7[%dma_start3A_218] : memref<2048xi32, #tpu.memory_space<vmem>> -> memref<256xi32, #tpu.memory_space<vmem>>
      tpu.enqueue_dma source(%dma_start3A_219 : memref<256xi32, #tpu.memory_space<vmem>>) target(%dma_start3A_217 : memref<256xi32, #tpu.memory_space<hbm>>) target_semaphore(%run_scoped3A : memref<!tpu.dma_semaphore, #tpu.memory_space<semaphore_mem>>)
      %dma_wait3A_220 = arith.constant 1024 : i32
      %dma_wait3A_221 = tpu.memref_slice %arg7[%dma_wait3A_220] : memref<2048xi32, #tpu.memory_space<vmem>> -> memref<256xi32, #tpu.memory_space<vmem>>
      %dma_wait3A_222 = tpu.memref_slice %arg4[%add3A_207] : memref<65536xi32, #tpu.memory_space<hbm>> -> memref<256xi32, #tpu.memory_space<hbm>>
      %dma_wait3A_223 = tpu.memref_slice %arg4[%add3A_207] : memref<65536xi32, #tpu.memory_space<hbm>> -> memref<256xi32, #tpu.memory_space<hbm>>
      %dma_wait3A_224 = arith.constant 1024 : i32
      %dma_wait3A_225 = tpu.memref_slice %arg7[%dma_wait3A_224] : memref<2048xi32, #tpu.memory_space<vmem>> -> memref<256xi32, #tpu.memory_space<vmem>>
      tpu.wait_dma2 semaphore(%run_scoped3A : memref<!tpu.dma_semaphore, #tpu.memory_space<semaphore_mem>>) src(%dma_wait3A_225 : memref<256xi32, #tpu.memory_space<vmem>>) dst(%dma_wait3A_223 : memref<256xi32, #tpu.memory_space<hbm>>)
      tpu.yield
    }) : () -> ()
    %add3A_208 = arith.constant 40960 : i32
    %add3A_209 = arith.addi %add3A_208, %mul3A_2 : i32
    "tpu.region"() ({
      %run_scoped3A = tpu.sem_alloc : memref<!tpu.dma_semaphore, #tpu.memory_space<semaphore_mem>>
      %dma_start3A_214 = arith.constant 1280 : i32
      %dma_start3A_215 = tpu.memref_slice %arg7[%dma_start3A_214] : memref<2048xi32, #tpu.memory_space<vmem>> -> memref<256xi32, #tpu.memory_space<vmem>>
      %dma_start3A_216 = tpu.memref_slice %arg4[%add3A_209] : memref<65536xi32, #tpu.memory_space<hbm>> -> memref<256xi32, #tpu.memory_space<hbm>>
      %dma_start3A_217 = tpu.memref_slice %arg4[%add3A_209] : memref<65536xi32, #tpu.memory_space<hbm>> -> memref<256xi32, #tpu.memory_space<hbm>>
      %dma_start3A_218 = arith.constant 1280 : i32
      %dma_start3A_219 = tpu.memref_slice %arg7[%dma_start3A_218] : memref<2048xi32, #tpu.memory_space<vmem>> -> memref<256xi32, #tpu.memory_space<vmem>>
      tpu.enqueue_dma source(%dma_start3A_219 : memref<256xi32, #tpu.memory_space<vmem>>) target(%dma_start3A_217 : memref<256xi32, #tpu.memory_space<hbm>>) target_semaphore(%run_scoped3A : memref<!tpu.dma_semaphore, #tpu.memory_space<semaphore_mem>>)
      %dma_wait3A_220 = arith.constant 1280 : i32
      %dma_wait3A_221 = tpu.memref_slice %arg7[%dma_wait3A_220] : memref<2048xi32, #tpu.memory_space<vmem>> -> memref<256xi32, #tpu.memory_space<vmem>>
      %dma_wait3A_222 = tpu.memref_slice %arg4[%add3A_209] : memref<65536xi32, #tpu.memory_space<hbm>> -> memref<256xi32, #tpu.memory_space<hbm>>
      %dma_wait3A_223 = tpu.memref_slice %arg4[%add3A_209] : memref<65536xi32, #tpu.memory_space<hbm>> -> memref<256xi32, #tpu.memory_space<hbm>>
      %dma_wait3A_224 = arith.constant 1280 : i32
      %dma_wait3A_225 = tpu.memref_slice %arg7[%dma_wait3A_224] : memref<2048xi32, #tpu.memory_space<vmem>> -> memref<256xi32, #tpu.memory_space<vmem>>
      tpu.wait_dma2 semaphore(%run_scoped3A : memref<!tpu.dma_semaphore, #tpu.memory_space<semaphore_mem>>) src(%dma_wait3A_225 : memref<256xi32, #tpu.memory_space<vmem>>) dst(%dma_wait3A_223 : memref<256xi32, #tpu.memory_space<hbm>>)
      tpu.yield
    }) : () -> ()
    %add3A_210 = arith.constant 49152 : i32
    %add3A_211 = arith.addi %add3A_210, %mul3A_2 : i32
    "tpu.region"() ({
      %run_scoped3A = tpu.sem_alloc : memref<!tpu.dma_semaphore, #tpu.memory_space<semaphore_mem>>
      %dma_start3A_214 = arith.constant 1536 : i32
      %dma_start3A_215 = tpu.memref_slice %arg7[%dma_start3A_214] : memref<2048xi32, #tpu.memory_space<vmem>> -> memref<256xi32, #tpu.memory_space<vmem>>
      %dma_start3A_216 = tpu.memref_slice %arg4[%add3A_211] : memref<65536xi32, #tpu.memory_space<hbm>> -> memref<256xi32, #tpu.memory_space<hbm>>
      %dma_start3A_217 = tpu.memref_slice %arg4[%add3A_211] : memref<65536xi32, #tpu.memory_space<hbm>> -> memref<256xi32, #tpu.memory_space<hbm>>
      %dma_start3A_218 = arith.constant 1536 : i32
      %dma_start3A_219 = tpu.memref_slice %arg7[%dma_start3A_218] : memref<2048xi32, #tpu.memory_space<vmem>> -> memref<256xi32, #tpu.memory_space<vmem>>
      tpu.enqueue_dma source(%dma_start3A_219 : memref<256xi32, #tpu.memory_space<vmem>>) target(%dma_start3A_217 : memref<256xi32, #tpu.memory_space<hbm>>) target_semaphore(%run_scoped3A : memref<!tpu.dma_semaphore, #tpu.memory_space<semaphore_mem>>)
      %dma_wait3A_220 = arith.constant 1536 : i32
      %dma_wait3A_221 = tpu.memref_slice %arg7[%dma_wait3A_220] : memref<2048xi32, #tpu.memory_space<vmem>> -> memref<256xi32, #tpu.memory_space<vmem>>
      %dma_wait3A_222 = tpu.memref_slice %arg4[%add3A_211] : memref<65536xi32, #tpu.memory_space<hbm>> -> memref<256xi32, #tpu.memory_space<hbm>>
      %dma_wait3A_223 = tpu.memref_slice %arg4[%add3A_211] : memref<65536xi32, #tpu.memory_space<hbm>> -> memref<256xi32, #tpu.memory_space<hbm>>
      %dma_wait3A_224 = arith.constant 1536 : i32
      %dma_wait3A_225 = tpu.memref_slice %arg7[%dma_wait3A_224] : memref<2048xi32, #tpu.memory_space<vmem>> -> memref<256xi32, #tpu.memory_space<vmem>>
      tpu.wait_dma2 semaphore(%run_scoped3A : memref<!tpu.dma_semaphore, #tpu.memory_space<semaphore_mem>>) src(%dma_wait3A_225 : memref<256xi32, #tpu.memory_space<vmem>>) dst(%dma_wait3A_223 : memref<256xi32, #tpu.memory_space<hbm>>)
      tpu.yield
    }) : () -> ()
    %add3A_212 = arith.constant 57344 : i32
    %add3A_213 = arith.addi %add3A_212, %mul3A_2 : i32
    "tpu.region"() ({
      %run_scoped3A = tpu.sem_alloc : memref<!tpu.dma_semaphore, #tpu.memory_space<semaphore_mem>>
      %dma_start3A_214 = arith.constant 1792 : i32
      %dma_start3A_215 = tpu.memref_slice %arg7[%dma_start3A_214] : memref<2048xi32, #tpu.memory_space<vmem>> -> memref<256xi32, #tpu.memory_space<vmem>>
      %dma_start3A_216 = tpu.memref_slice %arg4[%add3A_213] : memref<65536xi32, #tpu.memory_space<hbm>> -> memref<256xi32, #tpu.memory_space<hbm>>
      %dma_start3A_217 = tpu.memref_slice %arg4[%add3A_213] : memref<65536xi32, #tpu.memory_space<hbm>> -> memref<256xi32, #tpu.memory_space<hbm>>
      %dma_start3A_218 = arith.constant 1792 : i32
      %dma_start3A_219 = tpu.memref_slice %arg7[%dma_start3A_218] : memref<2048xi32, #tpu.memory_space<vmem>> -> memref<256xi32, #tpu.memory_space<vmem>>
      tpu.enqueue_dma source(%dma_start3A_219 : memref<256xi32, #tpu.memory_space<vmem>>) target(%dma_start3A_217 : memref<256xi32, #tpu.memory_space<hbm>>) target_semaphore(%run_scoped3A : memref<!tpu.dma_semaphore, #tpu.memory_space<semaphore_mem>>)
      %dma_wait3A_220 = arith.constant 1792 : i32
      %dma_wait3A_221 = tpu.memref_slice %arg7[%dma_wait3A_220] : memref<2048xi32, #tpu.memory_space<vmem>> -> memref<256xi32, #tpu.memory_space<vmem>>
      %dma_wait3A_222 = tpu.memref_slice %arg4[%add3A_213] : memref<65536xi32, #tpu.memory_space<hbm>> -> memref<256xi32, #tpu.memory_space<hbm>>
      %dma_wait3A_223 = tpu.memref_slice %arg4[%add3A_213] : memref<65536xi32, #tpu.memory_space<hbm>> -> memref<256xi32, #tpu.memory_space<hbm>>
      %dma_wait3A_224 = arith.constant 1792 : i32
      %dma_wait3A_225 = tpu.memref_slice %arg7[%dma_wait3A_224] : memref<2048xi32, #tpu.memory_space<vmem>> -> memref<256xi32, #tpu.memory_space<vmem>>
      tpu.wait_dma2 semaphore(%run_scoped3A : memref<!tpu.dma_semaphore, #tpu.memory_space<semaphore_mem>>) src(%dma_wait3A_225 : memref<256xi32, #tpu.memory_space<vmem>>) dst(%dma_wait3A_223 : memref<256xi32, #tpu.memory_space<hbm>>)
      tpu.yield
    }) : () -> ()
    return
  }
}

module attributes {stable_mosaic.version = 14 : i64} {
  func.func @_tc_scores_body(%arg0: i32, %arg1: memref<1024x2048xf32, #tpu.memory_space<vmem>>, %arg2: memref<64x2048xf32, #tpu.memory_space<vmem>>, %arg3: memref<1024x64xbf16, #tpu.memory_space<vmem>>) attributes {dimension_semantics = [#tpu.dimension_semantics<arbitrary>], iteration_bounds = array<i64: 8>, scalar_prefetch = 0 : i64, scratch_operands = 0 : i64, tpu.core_type = #tpu.core_type<tc>, window_params = [{transform_indices = @transform_0, window_bounds = array<i64: 1024, 2048>}, {pipeline_mode = #tpu.pipeline_mode<synchronous>, transform_indices = @transform_1, window_bounds = array<i64: 64, 2048>}, {transform_indices = @transform_2, window_bounds = array<i64: 1024, 64>}]} {
    %get3A = arith.constant 0 : index
    %get3A_0 = arith.constant 0 : index
    %get3A_1 = vector.load %arg1[%get3A, %get3A_0] : memref<1024x2048xf32, #tpu.memory_space<vmem>>, vector<1024x2048xf32>
    %get3A_2 = arith.constant 0 : index
    %get3A_3 = arith.constant 0 : index
    %get3A_4 = vector.load %arg2[%get3A_2, %get3A_3] : memref<64x2048xf32, #tpu.memory_space<vmem>>, vector<64x2048xf32>
    %dot_general3A = arith.constant dense<0.000000e+00> : vector<1024x64xf32>
    %dot_general3A_5 = tpu.matmul %get3A_1, %get3A_4, %dot_general3A {dimension_numbers = #tpu.dot_dimension_numbers<[1], [1], [0], [0], [0, 0, 1, 0], [], []>, transpose_lhs_hint = false} : vector<1024x2048xf32>, vector<64x2048xf32>, vector<1024x64xf32> -> vector<1024x64xf32>
    %convert_element_type3A = arith.truncf %dot_general3A_5 : vector<1024x64xf32> to vector<1024x64xbf16>
    %swap3A = arith.constant 0 : index
    %swap3A_6 = arith.constant 0 : index
    %swap3A_7 = vector.load %arg3[%swap3A, %swap3A_6] : memref<1024x64xbf16, #tpu.memory_space<vmem>>, vector<1024x64xbf16>
    tpu.vector_store %arg3[%swap3A, %swap3A_6], %convert_element_type3A {strides = array<i32>} : memref<1024x64xbf16, #tpu.memory_space<vmem>>, vector<1024x64xbf16>,
    return
  }
  func.func @transform_0(%arg0: i32) -> (i32, i32) {
    %c0_i32 = arith.constant 0 : i32
    %c0_i32_0 = arith.constant 0 : i32
    return %arg0, %c0_i32 : i32, i32
  }
  func.func @transform_1(%arg0: i32) -> (i32, i32) {
    %c0_i32 = arith.constant 0 : i32
    %c0_i32_0 = arith.constant 0 : i32
    %c0_i32_1 = arith.constant 0 : i32
    return %c0_i32, %c0_i32_0 : i32, i32
  }
  func.func @transform_2(%arg0: i32) -> (i32, i32) {
    %c0_i32 = arith.constant 0 : i32
    %c0_i32_0 = arith.constant 0 : i32
    return %arg0, %c0_i32 : i32, i32
  }
}

module attributes {stable_mosaic.version = 14 : i64} {
  func.func @_tc_select_body(%arg0: i32, %arg1: memref<4096x64xbf16, #tpu.memory_space<vmem>>, %arg2: memref<4096x8xi32, #tpu.memory_space<vmem>>, %arg3: memref<4096x8xf32, #tpu.memory_space<vmem>>) attributes {dimension_semantics = [#tpu.dimension_semantics<arbitrary>], iteration_bounds = array<i64: 2>, scalar_prefetch = 0 : i64, scratch_operands = 0 : i64, tpu.core_type = #tpu.core_type<tc>, window_params = [{transform_indices = @transform_0, window_bounds = array<i64: 4096, 64>}, {transform_indices = @transform_1, window_bounds = array<i64: 4096, 8>}, {transform_indices = @transform_2, window_bounds = array<i64: 4096, 8>}]} {
    %get3A = arith.constant 0 : index
    %get3A_0 = arith.constant 0 : index
    %get3A_1 = vector.load %arg1[%get3A, %get3A_0] : memref<4096x64xbf16, #tpu.memory_space<vmem>>, vector<4096x64xbf16>
    %get3A_2 = arith.constant 0 : index
    %get3A_3 = arith.constant 0 : index
    %get3A_4 = vector.load %arg2[%get3A_2, %get3A_3] : memref<4096x8xi32, #tpu.memory_space<vmem>>, vector<4096x8xi32>
    %convert_element_type3A = arith.extf %get3A_1 : vector<4096x64xbf16> to vector<4096x64xf32>
    %lt3A = arith.constant 0 : i32
    %lt3A_5 = vector.broadcast %lt3A : i32 to vector<4096x8xi32>
    %lt3A_6 = arith.cmpi slt, %get3A_4, %lt3A_5 : vector<4096x8xi32>
    %add3A = arith.constant 64 : i32
    %add3A_7 = vector.broadcast %add3A : i32 to vector<4096x8xi32>
    %add3A_8 = arith.addi %get3A_4, %add3A_7 : vector<4096x8xi32>
    %select_n3A = arith.select %lt3A_6, %add3A_8, %get3A_4 : vector<4096x8xi1>, vector<4096x8xi32>
    %reshape3A = vector.shape_cast %select_n3A : vector<4096x8xi32> to vector<4096x8x1xi32>
    %gather3A = vector.shape_cast %reshape3A : vector<4096x8x1xi32> to vector<4096x8xi32>
    %gather3A_9 = tpu.dynamic_gather %convert_element_type3A[%gather3A] in [1] : vector<4096x64xf32>, vector<4096x8xi32> -> vector<4096x8xf32>
    %max3A = arith.constant 0.000000e+00 : f32
    %max3A_10 = vector.broadcast %max3A : f32 to vector<4096x8xf32>
    %max3A_11 = arith.maximumf %gather3A_9, %max3A_10 : vector<4096x8xf32>
    %abs3A = math.absf %gather3A_9 : vector<4096x8xf32>
    %neg3A = arith.constant 0.000000e+00 : f32
    %neg3A_12 = vector.broadcast %neg3A : f32 to vector<4096x8xf32>
    %neg3A_13 = arith.subf %neg3A_12, %abs3A : vector<4096x8xf32>
    %exp3A = math.exp %neg3A_13 : vector<4096x8xf32>
    %add3A_14 = arith.constant 1.000000e+00 : f32
    %add3A_15 = vector.broadcast %add3A_14 : f32 to vector<4096x8xf32>
    %add3A_16 = arith.addf %add3A_15, %exp3A : vector<4096x8xf32>
    %log3A = math.log %add3A_16 : vector<4096x8xf32>
    %add3A_17 = arith.addf %max3A_11, %log3A : vector<4096x8xf32>
    %sqrt3A = math.sqrt %add3A_17 : vector<4096x8xf32>
    %reduce_sum3A = arith.constant dense<0.000000e+00> : vector<4096xf32>
    %reduce_sum3A_18 = vector.multi_reduction <add>, %sqrt3A, %reduce_sum3A [1] : vector<4096x8xf32> to vector<4096xf32>
    %broadcast_in_dim3A = vector.shape_cast %reduce_sum3A_18 : vector<4096xf32> to vector<4096x1xf32>
    %add3A_19 = arith.constant 9.99999968E-21 : f32
    %add3A_20 = vector.broadcast %add3A_19 : f32 to vector<4096x1xf32>
    %add3A_21 = arith.addf %broadcast_in_dim3A, %add3A_20 : vector<4096x1xf32>
    %div3A = arith.constant 2.500000e+00 : f32
    %div3A_22 = vector.broadcast %div3A : f32 to vector<4096x1xf32>
    %div3A_23 = arith.divf %div3A_22, %add3A_21 : vector<4096x1xf32>
    %mul3A = vector.broadcast %div3A_23 : vector<4096x1xf32> to vector<4096x8xf32>
    %mul3A_24 = arith.mulf %sqrt3A, %mul3A : vector<4096x8xf32>
    %swap3A = arith.constant 0 : index
    %swap3A_25 = arith.constant 0 : index
    %swap3A_26 = vector.load %arg3[%swap3A, %swap3A_25] : memref<4096x8xf32, #tpu.memory_space<vmem>>, vector<4096x8xf32>
    tpu.vector_store %arg3[%swap3A, %swap3A_25], %mul3A_24 {strides = array<i32>} : memref<4096x8xf32, #tpu.memory_space<vmem>>, vector<4096x8xf32>,
    return
  }
  func.func @transform_0(%arg0: i32) -> (i32, i32) {
    %c0_i32 = arith.constant 0 : i32
    %c0_i32_0 = arith.constant 0 : i32
    return %arg0, %c0_i32 : i32, i32
  }
  func.func @transform_1(%arg0: i32) -> (i32, i32) {
    %c0_i32 = arith.constant 0 : i32
    %c0_i32_0 = arith.constant 0 : i32
    return %arg0, %c0_i32 : i32, i32
  }
  func.func @transform_2(%arg0: i32) -> (i32, i32) {
    %c0_i32 = arith.constant 0 : i32
    %c0_i32_0 = arith.constant 0 : i32
    return %arg0, %c0_i32 : i32, i32
  }
}

</mosaic_0001>

<sc_bundles>
// kernel: kernel.5.cloned.1.call-start
scs
__scs_entry_jumppad:
0x0: {  	(pc) =	sbr.rel $0x88, $3  }
0x1: {  	(tag) =	ssettag $0x0;
	lr =	simm.s32 $0x1  }
0x2: {  	[smem:$0x3F9D] =	sst lr;
	_ =	strace $0xD0000000  }
0x3: {  	_ = 	snop  }
0x4: {  	_ = 	snop  }
0x5: {  	_ = 	snop  }
0x6: {  	_ = 	snop  }
0x7: {  	_ = 	snop  }
__scs_overlays_trampoline_lowered:
0x8: {  	[smem:$0x3FAC] =	sst s0  }
0x9: {  	[smem:$0x3FAD] =	sst s1  }
0xa: {  	[smem:$0x3FAE] =	sst s2  }
0xb: {  	[smem:$0x3FAF] =	sst s3  }
0xc: {  	[smem:$0x3FB0] =	sst s4  }
0xd: {  	[smem:$0x3FB1] =	sst s5  }
0xe: {  	[smem:$0x3FB2] =	sst s6  }
0xf: {  	[smem:$0x3FB3] =	sst s7  }
0x10: {  	[smem:$0x3FB4] =	sst s8  }
0x11: {  	[smem:$0x3FB5] =	sst s9;
	s0 =	simm.s32 @!p0 $0x0  }
0x12: {  	s1 =	sld [smem:$0x3F9B];
	s0 =	simm.s32 @p0 $0x1  }
0x13: {  	[smem:$0x3FB6] =	sst s0;
	s0 =	simm.s32 @!p1 $0x0  }
0x14: {  	s2 =	sld [smem:$0x3F9A];
	s0 =	simm.s32 @p1 $0x1  }
0x15: {  	[smem:$0x3FB7] =	sst s0;
	s0 =	simm.s32 @!p2 $0x0  }
0x16: {  	s3 =	sld [smem:$0x3FDB];
	s0 =	simm.s32 @p2 $0x1  }
0x17: {  	s4 =	simm.s32 $0x1BF5;
	[smem:$0x3FB9] =	sst s0  }
0x18: {  	s0 =	sld [smem:$0x3F9C];
	_ =	swait.ge [sflag:s4], $0x0  }
0x19: {  	s7 =	sld [smem:$0x3F9D]  }
0x1a: {  	s8 =	sadd.s32 $0xFFFFE003, lr  }
0x1b: {  	s9 =	sadd.s32 $0xFFFFFEF7, lr;
	s5 =	simm.s32 $0xFFFFFFFF;
	p2 =	slt.u32 s8, $0xFFFFF086  }
0x1c: {  	p1 =	slt.u32 s9, $0xF7A;
	s5 =	simm.s32 @!p2 $0x0  }
0x1d: {  	s5 =	simm.s32 @p1 $0x1;
	p0 =	seq.s32 s7, s2  }
0x1e: {  	s7 =	smul.u32 @!p0 $0xF7A, s2;
	p2 =	seq.s32 @!p0 s5, $0x0  }
0x1f: {  	s9 =	smul.u32 $0xF7A, s1;
	s8 =	simm.s32 @!p0 $0x1BF5;
	p2 =	por !p2, p0  }
0x20: {  	[sflag:s8] =	ssyncset.s32 @!p0 $0xFFFFF086;
	s6 =	sadd.s32 @!p0 s3, s7;
	s7 =	simm.s32 @!p0 $0x108  }
0x21: {  	s3 =	sadd.s32 s3, s9;
	s6 =	sadd.s32 @!p0 $0x88, s6;
	s7 =	simm.s32 @p2 $0x1082  }
0x22: {  	[simem:s7], [sflag:s8] =	dma.local @!p0 [hbm:s6], $0xF7A  }
0x23: {  	s9 =	sor.u32 $0xD0000000, s2;
	s6 =	simm.s32 $0x108;
	_ =	swait.ge @!p0 [sflag:s8], $0x0  }
0x24: {  	s3 =	sadd.s32 $0x88, s3;
	s6 =	simm.s32 @!p1 $0x1082;
	[sflag:s4] =	ssyncset.s32 $0xFFFFF086  }
0x25: {  	[simem:s6], [sflag:s4] =	dma.local [hbm:s3], $0xF7A  }
0x26: {  	[smem:$0x3F9D] =	sst s1;
	(tag) =	ssettag s2;
	_ =	strace s9  }
0x27: {  	s1 =	sld [smem:$0x3FAD]  }
0x28: {  	s2 =	sld [smem:$0x3FAE]  }
0x29: {  	s4 =	sld [smem:$0x3FB0]  }
0x2a: {  	p0 =	seq.s32 s5, $0x0;
	s5 =	sld [smem:$0x3FB1]  }
0x2b: {  	s6 =	sld [smem:$0x3FB2]  }
0x2c: {  	s7 =	sld [smem:$0x3FB3]  }
0x2d: {  	s3 =	simm.s32 $0x108;
	s8 =	sld [smem:$0x3FB4]  }
0x2e: {  	s3 =	simm.s32 @!p0 $0x1082;
	s9 =	sld [smem:$0x3FB5]  }
0x2f: {  	lr =	sadd.s32 s0, s3;
	s0 =	sld [smem:$0x3FAC]  }
0x30: {  	s3 =	sld [smem:$0x3FAF]  }
0x31: {  	[smem:$0x3FB8] =	sst s10  }
0x32: {  	s10 =	sld [smem:$0x3FB6];
	_ =	sdelay $0x3  }
0x33: {  	p0 =	seq.s32 s10, $0x1;
	s10 =	sld [smem:$0x3FB8];
	_ =	sdelay $0x3  }
0x34: {  	[smem:$0x3FB8] =	sst s10  }
0x35: {  	s10 =	sld [smem:$0x3FB7];
	_ =	sdelay $0x3  }
0x36: {  	p1 =	seq.s32 s10, $0x1;
	s10 =	sld [smem:$0x3FB8];
	_ =	sdelay $0x3  }
0x37: {  	[smem:$0x3FB8] =	sst s10  }
0x38: {  	s10 =	sld [smem:$0x3FB9]  }
0x39: {  	_ = 	snop;
	(pc) =	sbr.ind lr, $3  }
0x3a: {  	_ = 	snop  }
0x3b: {  	_ = 	snop  }
0x3c: {  	p2 =	seq.s32 s10, $0x1;
	s10 =	sld [smem:$0x3FB8]  }
0x3d: {  	_ =	shalt  }
0x3e: {  	_ =	shalt  }
0x3f: {  	_ =	shalt  }
0x40: {  	_ =	shalt  }
0x41: {  	_ =	shalt  }
0x42: {  	_ =	shalt  }
0x43: {  	_ =	shalt  }
0x44: {  	_ =	shalt  }
0x45: {  	_ =	shalt  }
0x46: {  	_ =	shalt  }
0x47: {  	_ =	shalt  }
0x48: {  	_ =	shalt  }
0x49: {  	_ =	shalt  }
0x4a: {  	_ =	shalt  }
0x4b: {  	_ =	shalt  }
0x4c: {  	_ =	shalt  }
0x4d: {  	_ =	shalt  }
0x4e: {  	_ =	shalt  }
0x4f: {  	_ =	shalt  }
0x50: {  	_ =	shalt  }
0x51: {  	_ =	shalt  }
0x52: {  	_ =	shalt  }
0x53: {  	_ =	shalt  }
0x54: {  	_ =	shalt  }
0x55: {  	_ =	shalt  }
0x56: {  	_ =	shalt  }
0x57: {  	_ =	shalt  }
0x58: {  	_ =	shalt  }
0x59: {  	_ =	shalt  }
0x5a: {  	_ =	shalt  }
0x5b: {  	_ =	shalt  }
0x5c: {  	_ =	shalt  }
0x5d: {  	_ =	shalt  }
0x5e: {  	_ =	shalt  }
0x5f: {  	_ =	shalt  }
0x60: {  	_ =	shalt  }
0x61: {  	_ =	shalt  }
0x62: {  	_ =	shalt  }
0x63: {  	_ =	shalt  }
0x64: {  	_ =	shalt  }
0x65: {  	_ =	shalt  }
0x66: {  	_ =	shalt  }
0x67: {  	_ =	shalt  }
0x68: {  	_ =	shalt  }
0x69: {  	_ =	shalt  }
0x6a: {  	_ =	shalt  }
0x6b: {  	_ =	shalt  }
0x6c: {  	_ =	shalt  }
0x6d: {  	_ =	shalt  }
0x6e: {  	_ =	shalt  }
0x6f: {  	_ =	shalt  }
0x70: {  	_ =	shalt  }
0x71: {  	_ =	shalt  }
0x72: {  	_ =	shalt  }
0x73: {  	_ =	shalt  }
0x74: {  	_ =	shalt  }
0x75: {  	_ =	shalt  }
0x76: {  	_ =	shalt  }
0x77: {  	_ =	shalt  }
0x78: {  	_ =	shalt  }
0x79: {  	_ =	shalt  }
0x7a: {  	_ =	shalt  }
0x7b: {  	_ =	shalt  }
0x7c: {  	_ =	shalt  }
0x7d: {  	_ =	shalt  }
0x7e: {  	_ =	shalt  }
0x7f: {  	_ =	shalt  }
0x80: {  	_ =	shalt  }
0x81: {  	_ =	shalt  }
0x82: {  	_ =	shalt  }
0x83: {  	_ =	shalt  }
0x84: {  	_ =	shalt  }
0x85: {  	_ =	shalt  }
0x86: {  	_ =	shalt  }
0x87: {  	_ =	shalt  }
.Lfunc_end0:
.L_simem_size_0:
called_computation_lowered:
.L_overlay_start_0:
0x88: {  	s2 =	sld [smem:$0x3FD9]  }
0x89: {  	s3 =	sld [smem:$0x3FFE];
	_ =	sdelay $0x1  }
0x8a: {  	s1 =	srdreg.scid  }
0x8b: {  	s0 =	sand.u32 $0x1, s1  }
0x8c: {  	s14 =	sshll.u32 s0, $0xA;
	s2 =	sadd.s32 s3, s2  }
0x8d: {  	s2 =	sadd.s32 s2, s14  }
0x8e: {  	[smem:$0x3FC4] =	sst s2  }
0x8f: {  	_ = 	snop  }
0x90: {  	s2 =	sld [smem:$0x3FD0];
	_ =	sdelay $0x2  }
0x91: {  	s4 =	simm.s32 $0xA;
	s5 =	simm.s32 $0x10;
	s15 =	sld [smem:$0x3FC6]  }
0x92: {  	[smem:s5], [sflag:s4] =	dma.local [hbm:s2], $0x1  }
0x93: {  	_ =	swait.eq [sflag:s4], $0x1  }
0x94: {  	[sflag:s4] =	ssyncset.done $0x0  }
0x95: {  	[sflag:s4] =	ssyncadd.s32 $0xFFFFFFFF  }
0x96: {  	s16 =	sld [smem:$0x11];
	(tm) =	ssettm $0x1  }
0x97: {  	s17 =	sld [smem:$0x3FFB];
	_ =	sdelay $0x3  }
0x98: {  	_ =	strace s17  }
0x99: {  	s4 =	sld [smem:$0x3FFC];
	_ =	sdelay $0x3  }
0x9a: {  	_ =	strace s4  }
0x9b: {  	s4 =	sld [smem:$0x3FFD];
	_ =	sdelay $0x3  }
0x9c: {  	_ =	strace s4  }
0x9d: {  	_ =	strace $0x8FFFFFFF  }
0x9e: {  	s18 =	sld [smem:$0x3FDB];
	_ =	sdelay $0x1  }
0x9f: {  	s19 =	simm.s32 $_scs_section_size  }
0xa0: {  	s6 =	simm.s32 $_size__tile_overlayer_lowered;
	s7 =	simm.s32 $_tile_overlayer_lowered  }
0xa1: {  	s22 =	simm.s32 $0x1BFF;
	s21 =	sshll.u32 s7, $0x1;
	s4 =	sadd.s32 s19, s18  }
0xa2: {  	s8 =	simm.s32 $0x0;
	s20 =	sshll.u32 s6, $0x1;
	s6 =	sadd.s32 s21, s4  }
0xa3: {  	[timem:s8], [sflag:s22] =	dma.local [hbm:s6], s20  }
0xa4: {  	_ =	swait.ge [sflag:s22], s20  }
0xa5: {  	s5 =	ssub.s32 $0x0, s20;
	[sflag:s22] =	ssyncset.done $0x0  }
0xa6: {  	[sflag:s22] =	ssyncadd.s32 s5;
	_ =	sdelay $0x1  }
0xa7: {  	s23 =	simm.s32 $0x1B8B  }
0xa8: {  	_ =	swait.ge [sflag:s23], $0x1  }
0xa9: {  	[sflag:s23] =	ssyncset.done $0x0  }
0xaa: {  	s25 =	simm.s32 $0x1B8E;
	s24 =	sld [smem:$0x3FFE];
	[sflag:s23] =	ssyncadd.s32 $0xFFFFFFFF  }
0xab: {  	s26 =	simm.s32 $execute0_lowered;
	[smem:$0x3FD2] =	sst s25  }
0xac: {  	s6 =	sshll.u32 s26, $0x1;
	_ =	strace $0x80000046;
	[dreg:$0x1] =	wrdreg $0xFFFFFFFF  }
0xad: {  	s28 =	simm.s32 $_size_execute0_lowered;
	s4 =	sadd.s32 s4, s6;
	[dreg:$0x0] =	wrdreg $0x0  }
0xae: {  	s6 =	sshll.u32 s28, $0x1;
	[dreg:$0x2] =	wrdreg s4  }
0xaf: {  	[dreg:$0x3] =	wrdreg s6  }
0xb0: {  	[dreg:$0x4] =	wrdreg $0xC0  }
0xb1: {  	_ =	task [dreg:s8], $0x5FFFF  }
0xb2: {  	[dreg:$0x1] =	wrdreg $0xFFFFFFFF  }
0xb3: {  	[dreg:$0x0] =	wrdreg $0x60  }
0xb4: {  	[dreg:$0x2] =	wrdreg s24  }
0xb5: {  	[dreg:$0x3] =	wrdreg s15  }
0xb6: {  	[dreg:$0x4] =	wrdreg s16  }
0xb7: {  	[dreg:$0x5] =	wrdreg $0x9  }
0xb8: {  	_ =	task.clear_ibuf [dreg:s8], $0x6FFFF;
	_ =	strace $0x90000046  }
0xb9: {  	s29 =	simm.s32 $0x9;
	_ =	strace $0x80000048  }
0xba: {  	_ =	swait.ge [sflag:s29], $0x1  }
0xbb: {  	[sflag:s29] =	ssyncadd.s32 $0xFFFFFFFF  }
0xbc: {  	_ =	strace $0x90000048  }
0xbd: {  	_ =	sfence  }
0xbe: {  	s30 =	sld [smem:$0x0];
	_ =	sdelay $0x2  }
0xbf: {  	s31 =	sshll.u32 s1, $0xD;
	s1 =	sshrl.u32 s1, $0x2  }
0xc0: {  	s3 =	sand.u32 $0x4000, s31;
	s1 =	sadd.s32 s1, s30  }
0xc1: {  	s0 =	sor.u32 s3, s0;
	s1 =	sshll.u32 s1, $0x11  }
0xc2: {  	s0 =	sor.u32 s1, s0  }
0xc3: {  	s0 =	sadd.s32 $0x8F2B, s0  }
0xc4: {  	[sflag:s0] =	ssyncadd.remote.s32 $0x1  }
0xc5: {  	_ =	sfence.sel $0xFFFF  }
0xc6: {  	[dreg:$0x0] =	wrdreg $0xFFFFFFFF;
	(pc) =	sbr.abs _section_cstart, $3  }
0xc7: {  	[dreg:$0x1] =	wrdreg $0xFFFFFFFF  }
0xc8: {  	_ =	task.clear_ibuf [dreg:s8], $0x2FFFF;
	_ =	strace $0x9FFFFFFF  }
0xc9: {  	(tm) =	ssettm $0x7FFFFFFF  }
tec
execute0_lowered:
.L_overlay_start_1:
0x0: {  	(tag) =	ssettag $0x1  }
0x1: {  	s0 =	rddreg [dreg:$0x0]  }
0x2: {  	s1 =	rddreg [dreg:$0x1]  }
0x3: {  	s4 =	rddreg [dreg:$0x2];
	s2 =	simm.s32 $0x0  }
0x4: {  	s3 =	srdreg.scid;
	s6 =	stileid.u32;
	s14 =	simm.s32 $0x2  }
0x5: {  	s15 =	simm.s32 $0x80;
	s16 =	simm.s32 $0x100;
	s17 =	simm.s32 $0x900  }
0x6: {  	s21 =	simm.s32 $0xA00;
	s25 =	simm.s32 $0xB00;
	s30 =	simm.s32 $0xC00  }
0x7: {  	s18 =	simm.s32 $0xD00;
	s23 =	simm.s32 $0xE00;
	s29 =	simm.s32 $0xF00  }
0x8: {  	s19 =	simm.s32 $0x1000;
	s22 =	simm.s32 $0x1080;
	s24 =	simm.s32 $0x1  }
0x9: {  	s26 =	simm.s32 $0x0;
	[smem:$0x7FF] =	sst s2;
	s3 =	sand.u32 $0x1, s3  }
0xa: {  	s6 =	sshll.u32 s6, $0x6;
	s5 =	ssub.s32 $0x2, s3;
	s3 =	sshll.u32 s3, $0x5  }
0xb: {  	_ =	strace $0x80000047;
	s7 =	sshrl.u32 s5, $0x1;
	s6 =	sor.u32 s3, s6  }
0xc: {  	s3 =	sadd.s32 $0x800, s0;
	s31 =	ssub.s32 s5, s7;
	s4 =	sadd.s32 s4, s6  }
0xd: {  	s5 =	sadd.s32 s1, s6;
	s6 =	sadd.s32 $0x400, s4;
	s7 =	sadd.s32 $0x800, s4  }
0xe: {  	s8 =	sadd.s32 $0xC00, s4;
	s9 =	sadd.s32 $0x1000, s4;
	s10 =	sadd.s32 $0x1400, s4  }
0xf: {  	s11 =	sadd.s32 $0x1800, s4;
	s12 =	sadd.s32 $0x1C00, s4;
	s13 =	smax.u32 s31, $0x1  }
.LBB2_1:
0x10: {  	[tilespmem:s2], [sflag:$0x2] =	stream.linear.gather [hbm4b:s5+s2], $0x100, $0x38;
	[tilespmem:$0x1100] =	vst v63  }
0x11: {  	_ =	swait.ge [sflag:s14], $0x100  }
0x12: {  	[sflag:s14] =	ssyncset.done $0x0  }
0x13: {  	[sflag:s14] =	ssyncadd.s32 $0xFFFFFF00  }
0x14: {  	v0 =	vld [tilespmem:s2+$0x0];
	_ =	sdelay $0x4  }
0x15: {  	s0 =	sand.u32 $0xF0, s2;
	[tilespmem:s16+$0x0] =	vst v0;
	v1 =	vadd.s32 $0x1F900, v0  }
0x16: {  	v2 =	vadd.s32 $0x3F200, v0;
	[tilespmem:s0+$0x200] =	vst v1  }
0x17: {  	v1 =	vadd.s32 $0x5EB00, v0;
	[tilespmem:s0+$0x300] =	vst v2  }
0x18: {  	v2 =	vadd.s32 $0x7E400, v0;
	[tilespmem:s0+$0x400] =	vst v1  }
0x19: {  	v1 =	vadd.s32 $0x9DD00, v0;
	[tilespmem:s0+$0x500] =	vst v2  }
0x1a: {  	v2 =	vadd.s32 $0xBD600, v0;
	[tilespmem:s0+$0x600] =	vst v1  }
0x1b: {  	v0 =	vadd.s32 $0xDCF00, v0;
	[tilespmem:s0+$0x700] =	vst v2  }
0x1c: {  	s28 =	simm.s32 $0x10;
	[tilespmem:s0+$0x800] =	vst v0  }
0x1d: {  	s31 =	simm.s32 $0x100;
	s1 =	simm.s32 $0x10;
	s0 =	simm.s32 $0x20;
	v0 =	vld [tilespmem:s28+$0x0]  }
.LBB2_2:
0x1e: {  	p0 =	sne.s32 s0, $0xF0;
	_ =	sdelay $0x2  }
0x1f: {  	s31 =	sadd.s32 $0x10, s31  }
0x20: {  	s20 =	sand.u32 $0xF0, s28;
	s28 =	smov.u32 s0;
	[tilespmem:s31+$0x0] =	vst v0;
	v1 =	vadd.s32 $0x1F900, v0;
	v2 =	vadd.s32 $0x3F200, v0;
	v3 =	vadd.s32 $0x5EB00, v0  }
0x21: {  	v4 =	vadd.s32 $0x9DD00, v0;
	v5 =	vadd.s32 $0xBD600, v0;
	[tilespmem:s20+$0x200] =	vst v1;
	v1 =	vadd.s32 $0x7E400, v0  }
0x22: {  	v0 =	vadd.s32 $0xDCF00, v0;
	[tilespmem:s20+$0x300] =	vst v2  }
0x23: {  	[tilespmem:s20+$0x400] =	vst v3  }
.Ltmp0:
0x24: {  	[tilespmem:s20+$0x500] =	vst v1;
	(pc) =	sbr.rel @p0 .LBB2_2-.Ltmp0, $4  }
0x25: {  	[tilespmem:s20+$0x600] =	vst v4  }
0x26: {  	[tilespmem:s20+$0x700] =	vst v5  }
0x27: {  	s1 =	sadd.s32 $0x10, s1;
	[tilespmem:s20+$0x800] =	vst v0  }
0x28: {  	s0 =	sadd.s32 $0x10, s0;
	v0 =	vld [tilespmem:s1+$0x0]  }
0x29: {  	_ =	sdelay $0x2  }
0x2a: {  	s0 =	sadd.s32 $0x10, s31  }
0x2b: {  	s28 =	sand.u32 $0xF0, s28;
	[tilespmem:s0+$0x0] =	vst v0;
	v1 =	vadd.s32 $0x1F900, v0  }
0x2c: {  	v2 =	vadd.s32 $0x3F200, v0;
	[tilespmem:s28+$0x200] =	vst v1  }
0x2d: {  	v59 =	vadd.s32 $0x5EB00, v0;
	[tilespmem:s28+$0x300] =	vst v2  }
0x2e: {  	v60 =	vadd.s32 $0x7E400, v0;
	[tilespmem:s28+$0x400] =	vst v59  }
0x2f: {  	v61 =	vadd.s32 $0x9DD00, v0;
	[tilespmem:s28+$0x500] =	vst v60  }
0x30: {  	v62 =	vadd.s32 $0xBD600, v0;
	[tilespmem:s28+$0x600] =	vst v61  }
0x31: {  	v63 =	vadd.s32 $0xDCF00, v0;
	[tilespmem:s28+$0x700] =	vst v62  }
0x32: {  	[tilespmem:s28+$0x800] =	vst v63  }
0x33: {  	[tilespmem:s17], [sflag:$0x1] =	stream.indirect.gather [hbm4b:s3+s15], $0x1, s16, s15, $0xb8;
	[tilespmem:$0x1100] =	vst v63  }
0x34: {  	s31 =	simm.s32 $0x180;
	s1 =	simm.s32 $0x980  }
0x35: {  	[tilespmem:s1], [sflag:$0x1] =	stream.indirect.gather [hbm4b:s3+s15], $0x1, s31, s15, $0xb8;
	[tilespmem:$0x1100] =	vst v63  }
0x36: {  	s20 =	simm.s32 $0x200  }
0x37: {  	[tilespmem:s21], [sflag:$0x1] =	stream.indirect.gather [hbm4b:s3+s15], $0x1, s20, s15, $0xb8;
	[tilespmem:$0x1100] =	vst v63  }
0x38: {  	s28 =	simm.s32 $0x280;
	s31 =	simm.s32 $0xA80  }
0x39: {  	[tilespmem:s31], [sflag:$0x1] =	stream.indirect.gather [hbm4b:s3+s15], $0x1, s28, s15, $0xb8;
	[tilespmem:$0x1100] =	vst v63  }
0x3a: {  	s20 =	simm.s32 $0x300  }
0x3b: {  	[tilespmem:s25], [sflag:$0x1] =	stream.indirect.gather [hbm4b:s3+s15], $0x1, s20, s15, $0xb8;
	[tilespmem:$0x1100] =	vst v63  }
0x3c: {  	s28 =	simm.s32 $0x380;
	s31 =	simm.s32 $0xB80  }
0x3d: {  	[tilespmem:s31], [sflag:$0x1] =	stream.indirect.gather [hbm4b:s3+s15], $0x1, s28, s15, $0xb8;
	[tilespmem:$0x1100] =	vst v63  }
0x3e: {  	s20 =	simm.s32 $0x400  }
0x3f: {  	[tilespmem:s30], [sflag:$0x1] =	stream.indirect.gather [hbm4b:s3+s15], $0x1, s20, s15, $0xb8;
	[tilespmem:$0x1100] =	vst v63  }
0x40: {  	s28 =	simm.s32 $0x480;
	s31 =	simm.s32 $0xC80  }
0x41: {  	[tilespmem:s31], [sflag:$0x1] =	stream.indirect.gather [hbm4b:s3+s15], $0x1, s28, s15, $0xb8;
	[tilespmem:$0x1100] =	vst v63  }
0x42: {  	s20 =	simm.s32 $0x500  }
0x43: {  	[tilespmem:s18], [sflag:$0x1] =	stream.indirect.gather [hbm4b:s3+s15], $0x1, s20, s15, $0xb8;
	[tilespmem:$0x1100] =	vst v63  }
0x44: {  	s28 =	simm.s32 $0x580;
	s31 =	simm.s32 $0xD80  }
0x45: {  	[tilespmem:s31], [sflag:$0x1] =	stream.indirect.gather [hbm4b:s3+s15], $0x1, s28, s15, $0xb8;
	[tilespmem:$0x1100] =	vst v63  }
0x46: {  	s1 =	simm.s32 $0x600  }
0x47: {  	[tilespmem:s23], [sflag:$0x1] =	stream.indirect.gather [hbm4b:s3+s15], $0x1, s1, s15, $0xb8;
	[tilespmem:$0x1100] =	vst v63  }
0x48: {  	s20 =	simm.s32 $0x680;
	s28 =	simm.s32 $0xE80  }
0x49: {  	[tilespmem:s28], [sflag:$0x1] =	stream.indirect.gather [hbm4b:s3+s15], $0x1, s20, s15, $0xb8;
	[tilespmem:$0x1100] =	vst v63  }
0x4a: {  	s31 =	simm.s32 $0x700  }
0x4b: {  	[tilespmem:s29], [sflag:$0x1] =	stream.indirect.gather [hbm4b:s3+s15], $0x1, s31, s15, $0xb8;
	[tilespmem:$0x1100] =	vst v63  }
0x4c: {  	s1 =	simm.s32 $0x780;
	s20 =	simm.s32 $0xF80  }
0x4d: {  	[tilespmem:s20], [sflag:$0x1] =	stream.indirect.gather [hbm4b:s3+s15], $0x1, s1, s15, $0xb8;
	[tilespmem:$0x1100] =	vst v63  }
0x4e: {  	s28 =	simm.s32 $0x800  }
0x4f: {  	[tilespmem:s19], [sflag:$0x1] =	stream.indirect.gather [hbm4b:s3+s15], $0x1, s28, s15, $0xb8;
	[tilespmem:$0x1100] =	vst v63  }
0x50: {  	s31 =	simm.s32 $0x880  }
0x51: {  	[tilespmem:s22], [sflag:$0x1] =	stream.indirect.gather [hbm4b:s3+s15], $0x1, s31, s15, $0xb8;
	[tilespmem:$0x1100] =	vst v63  }
0x52: {  	_ =	swait.ge [sflag:s24], $0x80  }
0x53: {  	[sflag:s24] =	ssyncset.done $0x0  }
0x54: {  	[sflag:s24] =	ssyncadd.s32 $0xFFFFFF80  }
0x55: {  	_ =	swait.ge [sflag:s24], $0x80  }
0x56: {  	[sflag:s24] =	ssyncset.done $0x0  }
0x57: {  	[sflag:s24] =	ssyncadd.s32 $0xFFFFFF80  }
0x58: {  	_ =	swait.ge [sflag:s24], $0x80  }
0x59: {  	[sflag:s24] =	ssyncset.done $0x0  }
0x5a: {  	[sflag:s24] =	ssyncadd.s32 $0xFFFFFF80  }
0x5b: {  	_ =	swait.ge [sflag:s24], $0x80  }
0x5c: {  	[sflag:s24] =	ssyncset.done $0x0  }
0x5d: {  	[sflag:s24] =	ssyncadd.s32 $0xFFFFFF80  }
0x5e: {  	_ =	swait.ge [sflag:s24], $0x80  }
0x5f: {  	[sflag:s24] =	ssyncset.done $0x0  }
0x60: {  	[sflag:s24] =	ssyncadd.s32 $0xFFFFFF80  }
0x61: {  	_ =	swait.ge [sflag:s24], $0x80  }
0x62: {  	[sflag:s24] =	ssyncset.done $0x0  }
0x63: {  	[sflag:s24] =	ssyncadd.s32 $0xFFFFFF80  }
0x64: {  	_ =	swait.ge [sflag:s24], $0x80  }
0x65: {  	[sflag:s24] =	ssyncset.done $0x0  }
0x66: {  	[sflag:s24] =	ssyncadd.s32 $0xFFFFFF80  }
0x67: {  	_ =	swait.ge [sflag:s24], $0x80  }
0x68: {  	[sflag:s24] =	ssyncset.done $0x0  }
0x69: {  	[sflag:s24] =	ssyncadd.s32 $0xFFFFFF80  }
0x6a: {  	_ =	swait.ge [sflag:s24], $0x80  }
0x6b: {  	[sflag:s24] =	ssyncset.done $0x0  }
0x6c: {  	[sflag:s24] =	ssyncadd.s32 $0xFFFFFF80  }
0x6d: {  	_ =	swait.ge [sflag:s24], $0x80  }
0x6e: {  	[sflag:s24] =	ssyncset.done $0x0  }
0x6f: {  	[sflag:s24] =	ssyncadd.s32 $0xFFFFFF80  }
0x70: {  	_ =	swait.ge [sflag:s24], $0x80  }
0x71: {  	[sflag:s24] =	ssyncset.done $0x0  }
0x72: {  	[sflag:s24] =	ssyncadd.s32 $0xFFFFFF80  }
0x73: {  	_ =	swait.ge [sflag:s24], $0x80  }
0x74: {  	[sflag:s24] =	ssyncset.done $0x0  }
0x75: {  	[sflag:s24] =	ssyncadd.s32 $0xFFFFFF80  }
0x76: {  	_ =	swait.ge [sflag:s24], $0x80  }
0x77: {  	[sflag:s24] =	ssyncset.done $0x0  }
0x78: {  	[sflag:s24] =	ssyncadd.s32 $0xFFFFFF80  }
0x79: {  	_ =	swait.ge [sflag:s24], $0x80  }
0x7a: {  	[sflag:s24] =	ssyncset.done $0x0  }
0x7b: {  	[sflag:s24] =	ssyncadd.s32 $0xFFFFFF80  }
0x7c: {  	_ =	swait.ge [sflag:s24], $0x80  }
0x7d: {  	[sflag:s24] =	ssyncset.done $0x0  }
0x7e: {  	[sflag:s24] =	ssyncadd.s32 $0xFFFFFF80  }
0x7f: {  	_ =	swait.ge [sflag:s24], $0x80  }
0x80: {  	[sflag:s24] =	ssyncset.done $0x0  }
0x81: {  	[sflag:s24] =	ssyncadd.s32 $0xFFFFFF80  }
0x82: {  	[hbm4b:s4+s2] =	stream.linear.scatter [tilespmem:s17], [sflag:$0x2], $0x100, $0x38;
	[tilespmem:$0x1100] =	vst v63  }
0x83: {  	_ =	swait.ge [sflag:s14], $0x100  }
0x84: {  	[sflag:s14] =	ssyncset.done $0x0  }
0x85: {  	[sflag:s14] =	ssyncadd.s32 $0xFFFFFF00  }
0x86: {  	[hbm4b:s6+s2] =	stream.linear.scatter [tilespmem:s21], [sflag:$0x2], $0x100, $0x38;
	[tilespmem:$0x1100] =	vst v63  }
0x87: {  	_ =	swait.ge [sflag:s14], $0x100  }
0x88: {  	[sflag:s14] =	ssyncset.done $0x0  }
0x89: {  	[sflag:s14] =	ssyncadd.s32 $0xFFFFFF00  }
0x8a: {  	[hbm4b:s7+s2] =	stream.linear.scatter [tilespmem:s25], [sflag:$0x2], $0x100, $0x38;
	[tilespmem:$0x1100] =	vst v63  }
0x8b: {  	_ =	swait.ge [sflag:s14], $0x100  }
0x8c: {  	[sflag:s14] =	ssyncset.done $0x0  }
0x8d: {  	[sflag:s14] =	ssyncadd.s32 $0xFFFFFF00  }
0x8e: {  	[hbm4b:s8+s2] =	stream.linear.scatter [tilespmem:s30], [sflag:$0x2], $0x100, $0x38;
	[tilespmem:$0x1100] =	vst v63  }
0x8f: {  	_ =	swait.ge [sflag:s14], $0x100  }
0x90: {  	[sflag:s14] =	ssyncset.done $0x0  }
0x91: {  	[sflag:s14] =	ssyncadd.s32 $0xFFFFFF00  }
0x92: {  	[hbm4b:s9+s2] =	stream.linear.scatter [tilespmem:s18], [sflag:$0x2], $0x100, $0x38;
	[tilespmem:$0x1100] =	vst v63  }
0x93: {  	_ =	swait.ge [sflag:s14], $0x100  }
0x94: {  	[sflag:s14] =	ssyncset.done $0x0  }
0x95: {  	[sflag:s14] =	ssyncadd.s32 $0xFFFFFF00  }
0x96: {  	[hbm4b:s10+s2] =	stream.linear.scatter [tilespmem:s23], [sflag:$0x2], $0x100, $0x38;
	[tilespmem:$0x1100] =	vst v63  }
0x97: {  	_ =	swait.ge [sflag:s14], $0x100  }
0x98: {  	[sflag:s14] =	ssyncset.done $0x0  }
0x99: {  	[sflag:s14] =	ssyncadd.s32 $0xFFFFFF00  }
0x9a: {  	[hbm4b:s11+s2] =	stream.linear.scatter [tilespmem:s29], [sflag:$0x2], $0x100, $0x38;
	[tilespmem:$0x1100] =	vst v63  }
0x9b: {  	s26 =	sadd.s32 $0x1, s26;
	_ =	swait.ge [sflag:s14], $0x100  }
0x9c: {  	p0 =	sne.s32 s26, s13;
	[sflag:s14] =	ssyncset.done $0x0  }
.Ltmp1:
0x9d: {  	[sflag:s14] =	ssyncadd.s32 $0xFFFFFF00;
	(pc) =	sbr.rel @p0 .LBB2_1-.Ltmp1, $4  }
0x9e: {  	[hbm4b:s12+s2] =	stream.linear.scatter [tilespmem:s19], [sflag:$0x2], $0x100, $0x38;
	[tilespmem:$0x1100] =	vst v63  }
0x9f: {  	_ =	swait.ge [sflag:s14], $0x100  }
0xa0: {  	[sflag:s14] =	ssyncset.done $0x0  }
0xa1: {  	[sflag:s14] =	ssyncadd.s32 $0xFFFFFF00  }
0xa2: {  	_ =	sfence.sel $0x180000  }
0xa3: {  	[bflag:$0x0] =	sbarrier.arrive $0xFFFF  }
0xa4: {  	_ =	strace $0x90000047  }
0xa5: {  	s0 =	stileid.u32;
	[bflag:$0x2] =	sbarrier.arrive $0xFFFF  }
0xa6: {  	p0 =	sne.s32 s0, $0x0;
	s0 =	rddreg [dreg:$0x3]  }
0xa7: {  	s0 =	sadd.s32 @!p0 $0x100000, s0  }
0xa8: {  	[sflag:s0] =	ssyncadd.tile.s32 @!p0 $0x1;
	_ =	shalt  }
.Lfunc_end2:
_tile_overlayer_lowered:
.L_overlay_start_2:
0xa9: {  	(tag) =	ssettag $0x2  }
0xaa: {  	s0 =	rddreg [dreg:$0x0];
	s2 =	stileid.u32  }
0xab: {  	s1 =	rddreg [dreg:$0x1];
	p0 =	sne.s32 s2, $0x0  }
0xac: {  	s3 =	rddreg [dreg:$0x2];
	[bflag:$0x3] =	sbarrier.arrive $0xFFFF;
	s2 =	simm.s32 @!p0 $0x1C02  }
0xad: {  	[timem:s3], [sflag:s2] =	dma.local @!p0 [hbm:s0], s1  }
0xae: {  	s0 =	simm.s32 @!p0 $0x2  }
0xaf: {  	_ =	swait.ge @!p0 [sflag:s0], s1  }
0xb0: {  	s1 =	ssub.s32 @!p0 $0x0, s1;
	[sflag:s0] =	ssyncset.done @!p0 $0x0  }
0xb1: {  	[sflag:s0] =	ssyncadd.s32 @!p0 s1  }
0xb2: {  	[bflag:$0x3] =	sbarrier.arrive $0xFFFF  }
0xb3: {  	_ =	shalt  }

</sc_bundles>
